<compile_context>
chip_gen: v7x
topology: tpu7x:2x2x1
jax: 0.10.2.dev20260603
libtpu: 0.0.44.dev20260713+nightly
codegen_flags: <defaults>
</compile_context>

<pallas_src>
import functools

import jax
import jax.numpy as jnp
from jax import lax
from jax.experimental import pallas as pl
from jax.experimental.pallas import tpu as pltpu
from jax.experimental.pallas import tpu_sc as plsc

_T, _B, _D = 32, 8, 512
_V = 50000
_K = 8
_G = 32
_C = 20
_N = _T * _B
_TILE = 512
_NTILES = (_V + _TILE - 1) // _TILE
_RB = 32
_K3TILE = 1024
_PADV = 50176
_PADCHUNKS = _PADV // 128

_F32_NEG = -3.0e38



def _sc_gather_rows(table, idx, rows_per_worker, row_elems, dtype):
    info = plsc.get_sparse_core_info()
    nw = info.num_cores * info.num_subcores
    mesh = plsc.VectorSubcoreMesh(core_axis_name="c", subcore_axis_name="s")
    n_idx = idx.shape[0]

    @functools.partial(
        pl.kernel, mesh=mesh,
        out_type=jax.ShapeDtypeStruct((n_idx, row_elems), dtype),
        scratch_types=[
            pltpu.VMEM((rows_per_worker,), jnp.int32),
            pltpu.VMEM((rows_per_worker, row_elems), dtype),
            pltpu.SemaphoreType.DMA,
        ],
    )
    def k(table_hbm, idx_hbm, out_hbm, idx_v, rows_v, sem):
        wid = lax.axis_index("s") * info.num_cores + lax.axis_index("c")
        base = wid * rows_per_worker
        pltpu.sync_copy(idx_hbm.at[pl.ds(base, rows_per_worker)], idx_v)
        pltpu.async_copy(table_hbm.at[idx_v], rows_v, sem).wait()
        pltpu.sync_copy(rows_v, out_hbm.at[pl.ds(base, rows_per_worker)])

    return k(table, idx)


def _sc_gather_chunks(table, idx3d):
    info = plsc.get_sparse_core_info()
    mesh = plsc.VectorSubcoreMesh(core_axis_name="c", subcore_axis_name="s")
    nw, j_rows = idx3d.shape[0], idx3d.shape[1]
    per_w = j_rows * 128
    nbatch = 4
    jb = j_rows // nbatch
    rows_per_batch = jb * 128

    @functools.partial(
        pl.kernel, mesh=mesh,
        out_type=jax.ShapeDtypeStruct((nw * per_w, 128), jnp.float32),
        scratch_types=[
            pltpu.VMEM((jb, 128), jnp.int32),
            pltpu.VMEM((rows_per_batch, 128), jnp.float32),
            pltpu.SemaphoreType.DMA,
        ],
    )
    def k(table_hbm, idx_hbm, out_hbm, idx_v, rows_v, sem):
        wid = lax.axis_index("s") * info.num_cores + lax.axis_index("c")
        for q in range(nbatch):
            pltpu.sync_copy(idx_hbm.at[wid, pl.ds(q * jb, jb)], idx_v)
            copies = [
                pltpu.async_copy(table_hbm.at[idx_v.at[j]],
                                 rows_v.at[pl.ds(j * 128, 128)], sem)
                for j in range(jb)
            ]
            for c in copies:
                c.wait()
            pltpu.sync_copy(
                rows_v,
                out_hbm.at[pl.ds(wid * per_w + q * rows_per_batch,
                                 rows_per_batch)])

    return k(table, idx3d)



def _k1_logits_body(emb_ref, w_ref, out_ref):
    dots = jnp.dot(
        emb_ref[...], w_ref[...],
        preferred_element_type=jnp.float32,
        precision=lax.Precision.DEFAULT,
    )
    cols = (pl.program_id(0) * _TILE
            + lax.broadcasted_iota(jnp.int32, (_N, _TILE), 1))
    out_ref[...] = jnp.where(cols < _V, dots, _F32_NEG)


def _k1_logits(emb, w):
    return pl.pallas_call(
        _k1_logits_body,
        grid=(_PADV // _TILE,),
        in_specs=[
            pl.BlockSpec((_N, _D), lambda j: (0, 0)),
            pl.BlockSpec((_D, _TILE), lambda j: (0, j)),
        ],
        out_specs=pl.BlockSpec((_N, _TILE), lambda j: (0, j)),
        out_shape=jax.ShapeDtypeStruct((_N, _PADV), jnp.float32),
    )(emb, w)


def _k2_body(logits_ref, glob_ref, top8_ref):
    row = logits_ref[...]
    r3 = row.reshape(_RB, _PADCHUNKS, 128)
    gm = jnp.max(r3, axis=2)
    m = jnp.max(gm, axis=1, keepdims=True)
    s = jnp.sum(jnp.exp(row - m), axis=1, keepdims=True)
    glob_ref[...] = (row - m - jnp.log(s))[:, :_V]

    giota = lax.broadcasted_iota(jnp.int32, (_RB, _PADCHUNKS), 1)
    work = gm
    gsel = []
    for _ in range(_K):
        mt = jnp.max(work, axis=1, keepdims=True)
        p = jnp.min(jnp.where(work == mt, giota, jnp.int32(2**30)),
                    axis=1, keepdims=True)
        gsel.append(p)
        work = jnp.where(giota == p, _F32_NEG, work)
    gsel = jnp.concatenate(gsel, axis=1)

    onehot = (gsel[:, :, None] == giota[:, None, :]).astype(jnp.float32)
    cand = lax.dot_general(
        onehot, r3, (((2,), (1,)), ((0,), (0,))),
        preferred_element_type=jnp.float32,
        precision=lax.Precision.HIGHEST,
    )
    cand2 = cand.reshape(_RB, _K * 128)
    lane = lax.broadcasted_iota(jnp.int32, (_RB, _K, 128), 2)
    col2 = (gsel[:, :, None] * 128 + lane).reshape(_RB, _K * 128)

    work = cand2
    idxs = []
    for _ in range(_K):
        mt = jnp.max(work, axis=1, keepdims=True)
        p = jnp.min(jnp.where(work == mt, col2, jnp.int32(2**30)),
                    axis=1, keepdims=True)
        idxs.append(p)
        work = jnp.where(col2 == p, _F32_NEG, work)
    top8_ref[...] = jnp.concatenate(idxs, axis=1)


def _k2_softmax_top8(logits):
    return pl.pallas_call(
        _k2_body,
        grid=(_N // _RB,),
        in_specs=[pl.BlockSpec((_RB, _PADV), lambda i: (i, 0))],
        out_specs=[
            pl.BlockSpec((_RB, _V), lambda i: (i, 0)),
            pl.BlockSpec((_RB, _K), lambda i: (i, 0)),
        ],
        out_shape=[
            jax.ShapeDtypeStruct((_N, _V), jnp.float32),
            jax.ShapeDtypeStruct((_N, _K), jnp.int32),
        ],
    )(logits)


def _k3_body(prev_ref, emb_ref, locin_ref, sct_ref, out_ref, loc_ref, nrm_ref):
    @pl.when(pl.program_id(0) == 0)
    def _():
        cat = jnp.concatenate([prev_ref[...], emb_ref[...]], axis=0)
        rows = lax.broadcasted_iota(jnp.int32, (_N, (_C + _T) * _B), 0)
        colsj = lax.broadcasted_iota(jnp.int32, (_N, (_C + _T) * _B), 1)
        t = rows // _B
        b = rows % _B
        u = colsj // _B
        bp = colsj % _B
        band = jnp.where(
            (b == bp) & (u >= t + 1) & (u <= t + _C),
            jnp.float32(1.0 / _C), jnp.float32(0.0))
        loc = locin_ref[...] + jnp.dot(
            band, cat,
            preferred_element_type=jnp.float32,
            precision=lax.Precision.HIGHEST,
        )
        loc_ref[...] = loc
        nrm_ref[...] = jnp.sqrt(jnp.sum(loc * loc, axis=1, keepdims=True))

    sct = sct_ref[...]
    dots = lax.dot_general(
        loc_ref[...], sct, (((1,), (1,)), ((), ())),
        preferred_element_type=jnp.float32,
        precision=lax.Precision.HIGHEST,
    )
    rnorm = jnp.sqrt(jnp.sum(sct * sct, axis=1, keepdims=True))
    den = nrm_ref[...] * rnorm.T
    cosv = dots / jnp.maximum(den, jnp.float32(1e-8))
    for k in range(_K3TILE // 128):
        out_ref[:, k, :] = cosv[:, k * 128:(k + 1) * 128]


def _k3_cos(prev_flat, emb, locin, sc_table):
    return pl.pallas_call(
        _k3_body,
        grid=(_PADV // _K3TILE,),
        in_specs=[
            pl.BlockSpec(((_C + _T) * _B - _N, _D), lambda j: (0, 0)),
            pl.BlockSpec((_N, _D), lambda j: (0, 0)),
            pl.BlockSpec((_N, _D), lambda j: (0, 0)),
            pl.BlockSpec((_K3TILE, _D), lambda j: (j, 0)),
        ],
        out_specs=pl.BlockSpec((_N, _K3TILE // 128, 128), lambda j: (0, j, 0)),
        out_shape=jax.ShapeDtypeStruct((_N, _PADCHUNKS, 128), jnp.float32),
        scratch_shapes=[
            pltpu.VMEM((_N, _D), jnp.float32),
            pltpu.VMEM((_N, 1), jnp.float32),
        ],
    )(prev_flat, emb, locin, sc_table)


_EB = 4096


def _k4a_body(chunks_ref, lane_ref, out_ref):
    lanes = lax.broadcasted_iota(jnp.int32, (_EB, 128), 1)
    out_ref[...] = jnp.sum(
        jnp.where(lanes == lane_ref[...], chunks_ref[...], jnp.float32(0.0)),
        axis=1, keepdims=True)


def _k4a_extract(chunks, lane):
    n = chunks.shape[0]
    return pl.pallas_call(
        _k4a_body,
        grid=(n // _EB,),
        in_specs=[
            pl.BlockSpec((_EB, 128), lambda i: (i, 0)),
            pl.BlockSpec((_EB, 1), lambda i: (i, 0)),
        ],
        out_specs=pl.BlockSpec((_EB, 1), lambda i: (i, 0)),
        out_shape=jax.ShapeDtypeStruct((n, 1), jnp.float32),
    )(chunks, lane)


def _k4_body(scores_ref, nbr_ref, out_ref, sense_ref, val_ref):
    @pl.when(pl.program_id(0) == 0)
    def _():
        scores = scores_ref[...]
        m = jnp.max(scores, axis=1, keepdims=True)
        pos_iota = lax.broadcasted_iota(jnp.int32, (_N, _K * _G), 1)
        cand = jnp.where(scores == m, pos_iota, jnp.int32(2**30))
        p = jnp.min(cand, axis=1, keepdims=True)
        sense_ref[...] = jnp.sum(
            jnp.where(pos_iota == p, nbr_ref[...], 0),
            axis=1, keepdims=True)
        val_ref[...] = m

    cols = (pl.program_id(0) * _TILE
            + lax.broadcasted_iota(jnp.int32, (_N, _TILE), 1))
    out_ref[...] = jnp.where(
        cols == sense_ref[...], val_ref[...], jnp.float32(0.0))


def _k4_senses(scores, nbr):
    return pl.pallas_call(
        _k4_body,
        grid=(_NTILES,),
        in_specs=[
            pl.BlockSpec((_N, _K * _G), lambda j: (0, 0)),
            pl.BlockSpec((_N, _K * _G), lambda j: (0, 0)),
        ],
        out_specs=pl.BlockSpec((_N, _TILE), lambda j: (0, j)),
        out_shape=jax.ShapeDtypeStruct((_N, _V), jnp.float32),
        scratch_shapes=[
            pltpu.VMEM((_N, 1), jnp.int32),
            pltpu.VMEM((_N, 1), jnp.float32),
        ],
    )(scores, nbr)



def kernel(batchinput_tensor, batch_labels, E, W_logits, SC, neighbours,
           prev_word_embeddings, location_context):
    del batch_labels

    flat_in = batchinput_tensor.reshape(_N)
    emb = _sc_gather_rows(E, flat_in, _N // 32, _D, jnp.float32)

    logits = _k1_logits(emb, W_logits)
    predictions_globals, top8 = _k2_softmax_top8(logits)

    top8_flat = top8.reshape(_N * _K)
    wide = neighbours.reshape((_V * _G) // 128, 128)
    wrows = _sc_gather_rows(wide, top8_flat // 4, (_N * _K) // 32, 128,
                            jnp.int32)
    w4 = wrows.reshape(_N * _K, 4, _G)
    sub = (top8_flat % 4)[:, None]
    nbr = jnp.where(
        sub == 0, w4[:, 0],
        jnp.where(sub == 1, w4[:, 1],
                  jnp.where(sub == 2, w4[:, 2], w4[:, 3])))
    nbr = nbr.reshape(_N, _K * _G)

    prev_flat = prev_word_embeddings.reshape(_C * _B, _D)
    locin = location_context.reshape(_N, _D)
    cos = _k3_cos(prev_flat, emb, locin, SC)

    chunk_rows = cos.reshape(_N * _PADCHUNKS, 128)
    row_idx = (jnp.arange(_N, dtype=jnp.int32)[:, None] * _PADCHUNKS
               + nbr // 128)
    idx3d = row_idx.reshape(32, (_N * _K * _G) // (32 * 128), 128)
    chunks = _sc_gather_chunks(chunk_rows, idx3d)
    lane = (nbr % 128).reshape(_N * _K * _G, 1)
    scores = _k4a_extract(chunks, lane).reshape(_N, _K * _G)

    predictions_senses = _k4_senses(scores, nbr)

    return (predictions_globals, predictions_senses)

# --- scband reference (transcript-rebuilt; emitter-appended) ---
"""Pipeline reference for scband-sense-context-62569083569001 (READ-ONLY COPY).

The authoritative reference and input builder live on the scoring server;
editing this copy changes nothing except your own understanding.
"""

import jax, jax.numpy as jnp
import numpy as np

T, B, D = 32, 8, 512
VOCAB = 50000
NUM_SENSES = 50000
K = 8
G = 32  # grapharea_size
C = 20


def setup_inputs(seed: int = 0) -> dict:
    key = jax.random.key(seed)
    ks = jax.random.split(key, 8)
    batchinput_tensor = jax.random.randint(ks[0], (T, B), 0, VOCAB, dtype=jnp.int32)
    batch_labels = jax.random.randint(ks[1], (T, B), 0, VOCAB, dtype=jnp.int32)
    E = jax.random.normal(ks[2], (VOCAB, D), dtype=jnp.float32) * 0.02
    W_logits = jax.random.normal(ks[3], (D, VOCAB), dtype=jnp.float32) * 0.02
    SC = jax.random.normal(ks[4], (NUM_SENSES, D), dtype=jnp.float32)
    neighbours = jax.random.randint(ks[5], (VOCAB, G), 0, NUM_SENSES, dtype=jnp.int32)
    prev_word_embeddings = jax.random.normal(ks[6], (C, B, D), dtype=jnp.float32) * 0.02
    location_context = jnp.zeros((T, B, D), dtype=jnp.float32)
    return {
        "batchinput_tensor": batchinput_tensor,
        "batch_labels": batch_labels,
        "E": E,
        "W_logits": W_logits,
        "SC": SC,
        "neighbours": neighbours,
        "prev_word_embeddings": prev_word_embeddings,
        "location_context": location_context,
    }


def reference(batchinput_tensor, batch_labels, E, W_logits, SC, neighbours, prev_word_embeddings, location_context):
    # --- StandardLM portion: embed inputs, predict over global vocabulary ---
    word_embeddings = jnp.take(E, batchinput_tensor, axis=0)           # [T, B, D]
    flat_emb = word_embeddings.reshape(T * B, D)
    logits = flat_emb @ W_logits                                        # [T*B, VOCAB]
    predictions_globals = jax.nn.log_softmax(logits, axis=1)

    # --- top-K globals per sample (sort descending, take first K) ---
    _, k_globals_indices = jax.lax.top_k(predictions_globals, K)        # [T*B, K]

    # --- gather sense neighbours of the K globals (grapharea lookup) ---
    sense_neighbours = jnp.take(neighbours, k_globals_indices, axis=0)  # [T*B, K, G]
    all_sense_neighbours = sense_neighbours.reshape(T, B, K * G)

    # --- update_context_average: rolling window sum of width C over
    #     concat(prev_word_embeddings, word_embeddings), divided by C ---
    cat = jnp.concatenate([prev_word_embeddings, word_embeddings], axis=0)   # [C+T, B, D]
    cs = jnp.cumsum(cat, axis=0)
    cs = jnp.concatenate([jnp.zeros((1, B, D), dtype=cat.dtype), cs], axis=0)
    idx_hi = jnp.arange(T) + C + 1
    idx_lo = jnp.arange(T) + 1
    window_sum = cs[idx_hi] - cs[idx_lo]                                # [T, B, D]
    loc_ctx = location_context + window_sum / C

    # --- senses_context = SC[all_sense_neighbours] ---
    senses_context = jnp.take(SC, all_sense_neighbours, axis=0)        # [T, B, K*G, D]

    # --- cosine similarity along dim=3 ---
    a = loc_ctx[:, :, None, :]
    num = jnp.sum(a * senses_context, axis=3)
    den = jnp.linalg.norm(a, axis=3) * jnp.linalg.norm(senses_context, axis=3)
    samples_cosinesim = num / jnp.maximum(den, 1e-8)                    # [T, B, K*G]

    # --- sort descending, take first index, gather the chosen sense ---
    samples_sortedindices = jnp.argsort(-samples_cosinesim, axis=2)
    samples_firstindex = samples_sortedindices[:, :, 0]                 # [T, B]
    samples_firstsense = jnp.take_along_axis(all_sense_neighbours, samples_firstindex[:, :, None], axis=2)  # [T, B, 1]
    top_cos = jnp.take_along_axis(samples_cosinesim, samples_firstindex[:, :, None], axis=2)

    flat_sense = samples_firstsense.reshape(T * B)
    flat_cos = top_cos.reshape(T * B)
    predictions_senses = jnp.zeros((T * B, NUM_SENSES), dtype=jnp.float32).at[jnp.arange(T * B), flat_sense].set(flat_cos)

    return (predictions_globals, predictions_senses)

if __name__ == "__main__":
    import jax
    _d = setup_inputs()
    print(jax.jit(kernel)(*tuple(_d.values())))

</pallas_src>

<mosaic_0001>
#map = affine_map<(d0, d1) -> (0, 0)>
#map1 = affine_map<(d0, d1) -> (0, 0, 0)>
module attributes {stable_mosaic.version = 14 : i64} {
  func.func @k(%arg0: i32, %arg1: i32, %arg2: memref<100352x128xf32, #tpu.memory_space<hbm>>, %arg3: memref<32x16x128xi32, #tpu.memory_space<hbm>>, %arg4: memref<65536x128xf32, #tpu.memory_space<hbm>>, %arg5: memref<4x128xi32, #tpu.memory_space<vmem>>, %arg6: memref<512x128xf32, #tpu.memory_space<vmem>>, %arg7: memref<!tpu.dma_semaphore, #tpu.memory_space<semaphore_mem>>) attributes {dimension_semantics = [#tpu.dimension_semantics<core_parallel>, #tpu.dimension_semantics<subcore_parallel>], iteration_bounds = array<i64: 2, 16>, scalar_prefetch = 0 : i64, scratch_operands = 3 : i64, tpu.core_type = #tpu.core_type<sc_vector_subcore>, window_params = [{transform_indices = #map}, {transform_indices = #map1}, {transform_indices = #map}]} {
    %mul3A = arith.constant 2 : i32
    %mul3A_0 = arith.muli %arg1, %mul3A : i32
    %add3A = arith.addi %mul3A_0, %arg0 : i32
    "tpu.region"() ({
      %run_scoped3A = tpu.sem_alloc : memref<!tpu.dma_semaphore, #tpu.memory_space<semaphore_mem>>
      %dma_start3A_335 = arith.constant 0 : i32
      %dma_start3A_336 = arith.constant 0 : i32
      %dma_start3A_337 = tpu.memref_slice %arg3[%add3A, %dma_start3A_335, %dma_start3A_336] : memref<32x16x128xi32, #tpu.memory_space<hbm>> -> memref<1x4x128xi32, #tpu.memory_space<hbm>>
      %dma_start3A_338 = tpu.memref_squeeze %dma_start3A_337 : memref<1x4x128xi32, #tpu.memory_space<hbm>> -> memref<4x128xi32, #tpu.memory_space<hbm>>
      %dma_start3A_339 = arith.constant 0 : i32
      %dma_start3A_340 = arith.constant 0 : i32
      %dma_start3A_341 = tpu.memref_slice %arg3[%add3A, %dma_start3A_339, %dma_start3A_340] : memref<32x16x128xi32, #tpu.memory_space<hbm>> -> memref<1x4x128xi32, #tpu.memory_space<hbm>>
      %dma_start3A_342 = tpu.memref_squeeze %dma_start3A_341 : memref<1x4x128xi32, #tpu.memory_space<hbm>> -> memref<4x128xi32, #tpu.memory_space<hbm>>
      tpu.enqueue_dma source(%dma_start3A_342 : memref<4x128xi32, #tpu.memory_space<hbm>>) target(%arg5 : memref<4x128xi32, #tpu.memory_space<vmem>>) target_semaphore(%run_scoped3A : memref<!tpu.dma_semaphore, #tpu.memory_space<semaphore_mem>>)
      %dma_wait3A_343 = arith.constant 0 : i32
      %dma_wait3A_344 = arith.constant 0 : i32
      %dma_wait3A_345 = tpu.memref_slice %arg3[%add3A, %dma_wait3A_343, %dma_wait3A_344] : memref<32x16x128xi32, #tpu.memory_space<hbm>> -> memref<1x4x128xi32, #tpu.memory_space<hbm>>
      %dma_wait3A_346 = tpu.memref_squeeze %dma_wait3A_345 : memref<1x4x128xi32, #tpu.memory_space<hbm>> -> memref<4x128xi32, #tpu.memory_space<hbm>>
      %dma_wait3A_347 = arith.constant 0 : i32
      %dma_wait3A_348 = arith.constant 0 : i32
      %dma_wait3A_349 = tpu.memref_slice %arg3[%add3A, %dma_wait3A_347, %dma_wait3A_348] : memref<32x16x128xi32, #tpu.memory_space<hbm>> -> memref<1x4x128xi32, #tpu.memory_space<hbm>>
      %dma_wait3A_350 = tpu.memref_squeeze %dma_wait3A_349 : memref<1x4x128xi32, #tpu.memory_space<hbm>> -> memref<4x128xi32, #tpu.memory_space<hbm>>
      tpu.wait_dma2 semaphore(%run_scoped3A : memref<!tpu.dma_semaphore, #tpu.memory_space<semaphore_mem>>) src(%dma_wait3A_350 : memref<4x128xi32, #tpu.memory_space<hbm>>) dst(%arg5 : memref<4x128xi32, #tpu.memory_space<vmem>>)
      tpu.yield
    }) : () -> ()
    %dma_start3A = arith.constant 0 : i32
    %dma_start3A_1 = arith.constant 0 : i32
    %dma_start3A_2 = arith.constant 0 : i32
    %dma_start3A_3 = tpu.memref_slice %arg6[%dma_start3A_1, %dma_start3A_2] : memref<512x128xf32, #tpu.memory_space<vmem>> -> memref<128x128xf32, #tpu.memory_space<vmem>>
    %dma_start3A_4 = arith.constant 0 : i32
    %dma_start3A_5 = tpu.memref_slice %arg5[%dma_start3A, %dma_start3A_4] : memref<4x128xi32, #tpu.memory_space<vmem>> -> memref<1x128xi32, #tpu.memory_space<vmem>>
    %dma_start3A_6 = tpu.memref_squeeze %dma_start3A_5 : memref<1x128xi32, #tpu.memory_space<vmem>> -> memref<128xi32, #tpu.memory_space<vmem>>
    %dma_start3A_7 = arith.constant 0 : i32
    %dma_start3A_8 = arith.constant 0 : i32
    %dma_start3A_9 = tpu.memref_slice %arg2[%dma_start3A_7, %dma_start3A_8] : memref<100352x128xf32, #tpu.memory_space<hbm>> -> memref<100352x128xf32, #tpu.memory_space<hbm>>
    tpu.enqueue_indirect_dma source(%dma_start3A_9 : memref<100352x128xf32, #tpu.memory_space<hbm>>) target(%dma_start3A_3 : memref<128x128xf32, #tpu.memory_space<vmem>>) offsets(%dma_start3A_6 : memref<128xi32, #tpu.memory_space<vmem>>) semaphore(%arg7 : memref<!tpu.dma_semaphore, #tpu.memory_space<semaphore_mem>>)
    %dma_start3A_10 = arith.constant 1 : i32
    %dma_start3A_11 = arith.constant 128 : i32
    %dma_start3A_12 = arith.constant 0 : i32
    %dma_start3A_13 = tpu.memref_slice %arg6[%dma_start3A_11, %dma_start3A_12] : memref<512x128xf32, #tpu.memory_space<vmem>> -> memref<128x128xf32, #tpu.memory_space<vmem>>
    %dma_start3A_14 = arith.constant 0 : i32
    %dma_start3A_15 = tpu.memref_slice %arg5[%dma_start3A_10, %dma_start3A_14] : memref<4x128xi32, #tpu.memory_space<vmem>> -> memref<1x128xi32, #tpu.memory_space<vmem>>
    %dma_start3A_16 = tpu.memref_squeeze %dma_start3A_15 : memref<1x128xi32, #tpu.memory_space<vmem>> -> memref<128xi32, #tpu.memory_space<vmem>>
    %dma_start3A_17 = arith.constant 0 : i32
    %dma_start3A_18 = arith.constant 0 : i32
    %dma_start3A_19 = tpu.memref_slice %arg2[%dma_start3A_17, %dma_start3A_18] : memref<100352x128xf32, #tpu.memory_space<hbm>> -> memref<100352x128xf32, #tpu.memory_space<hbm>>
    tpu.enqueue_indirect_dma source(%dma_start3A_19 : memref<100352x128xf32, #tpu.memory_space<hbm>>) target(%dma_start3A_13 : memref<128x128xf32, #tpu.memory_space<vmem>>) offsets(%dma_start3A_16 : memref<128xi32, #tpu.memory_space<vmem>>) semaphore(%arg7 : memref<!tpu.dma_semaphore, #tpu.memory_space<semaphore_mem>>)
    %dma_start3A_20 = arith.constant 2 : i32
    %dma_start3A_21 = arith.constant 256 : i32
    %dma_start3A_22 = arith.constant 0 : i32
    %dma_start3A_23 = tpu.memref_slice %arg6[%dma_start3A_21, %dma_start3A_22] : memref<512x128xf32, #tpu.memory_space<vmem>> -> memref<128x128xf32, #tpu.memory_space<vmem>>
    %dma_start3A_24 = arith.constant 0 : i32
    %dma_start3A_25 = tpu.memref_slice %arg5[%dma_start3A_20, %dma_start3A_24] : memref<4x128xi32, #tpu.memory_space<vmem>> -> memref<1x128xi32, #tpu.memory_space<vmem>>
    %dma_start3A_26 = tpu.memref_squeeze %dma_start3A_25 : memref<1x128xi32, #tpu.memory_space<vmem>> -> memref<128xi32, #tpu.memory_space<vmem>>
    %dma_start3A_27 = arith.constant 0 : i32
    %dma_start3A_28 = arith.constant 0 : i32
    %dma_start3A_29 = tpu.memref_slice %arg2[%dma_start3A_27, %dma_start3A_28] : memref<100352x128xf32, #tpu.memory_space<hbm>> -> memref<100352x128xf32, #tpu.memory_space<hbm>>
    tpu.enqueue_indirect_dma source(%dma_start3A_29 : memref<100352x128xf32, #tpu.memory_space<hbm>>) target(%dma_start3A_23 : memref<128x128xf32, #tpu.memory_space<vmem>>) offsets(%dma_start3A_26 : memref<128xi32, #tpu.memory_space<vmem>>) semaphore(%arg7 : memref<!tpu.dma_semaphore, #tpu.memory_space<semaphore_mem>>)
    %dma_start3A_30 = arith.constant 3 : i32
    %dma_start3A_31 = arith.constant 384 : i32
    %dma_start3A_32 = arith.constant 0 : i32
    %dma_start3A_33 = tpu.memref_slice %arg6[%dma_start3A_31, %dma_start3A_32] : memref<512x128xf32, #tpu.memory_space<vmem>> -> memref<128x128xf32, #tpu.memory_space<vmem>>
    %dma_start3A_34 = arith.constant 0 : i32
    %dma_start3A_35 = tpu.memref_slice %arg5[%dma_start3A_30, %dma_start3A_34] : memref<4x128xi32, #tpu.memory_space<vmem>> -> memref<1x128xi32, #tpu.memory_space<vmem>>
    %dma_start3A_36 = tpu.memref_squeeze %dma_start3A_35 : memref<1x128xi32, #tpu.memory_space<vmem>> -> memref<128xi32, #tpu.memory_space<vmem>>
    %dma_start3A_37 = arith.constant 0 : i32
    %dma_start3A_38 = arith.constant 0 : i32
    %dma_start3A_39 = tpu.memref_slice %arg2[%dma_start3A_37, %dma_start3A_38] : memref<100352x128xf32, #tpu.memory_space<hbm>> -> memref<100352x128xf32, #tpu.memory_space<hbm>>
    tpu.enqueue_indirect_dma source(%dma_start3A_39 : memref<100352x128xf32, #tpu.memory_space<hbm>>) target(%dma_start3A_33 : memref<128x128xf32, #tpu.memory_space<vmem>>) offsets(%dma_start3A_36 : memref<128xi32, #tpu.memory_space<vmem>>) semaphore(%arg7 : memref<!tpu.dma_semaphore, #tpu.memory_space<semaphore_mem>>)
    %dma_wait3A = arith.constant 0 : i32
    %dma_wait3A_40 = arith.constant 0 : i32
    %dma_wait3A_41 = arith.constant 0 : i32
    %dma_wait3A_42 = tpu.memref_slice %arg6[%dma_wait3A_40, %dma_wait3A_41] : memref<512x128xf32, #tpu.memory_space<vmem>> -> memref<128x128xf32, #tpu.memory_space<vmem>>
    %dma_wait3A_43 = arith.constant 0 : i32
    %dma_wait3A_44 = tpu.memref_slice %arg5[%dma_wait3A, %dma_wait3A_43] : memref<4x128xi32, #tpu.memory_space<vmem>> -> memref<1x128xi32, #tpu.memory_space<vmem>>
    %dma_wait3A_45 = tpu.memref_squeeze %dma_wait3A_44 : memref<1x128xi32, #tpu.memory_space<vmem>> -> memref<128xi32, #tpu.memory_space<vmem>>
    %dma_wait3A_46 = arith.constant 0 : i32
    %dma_wait3A_47 = arith.constant 0 : i32
    %dma_wait3A_48 = tpu.memref_slice %arg2[%dma_wait3A_46, %dma_wait3A_47] : memref<100352x128xf32, #tpu.memory_space<hbm>> -> memref<100352x128xf32, #tpu.memory_space<hbm>>
    tpu.wait_indirect_dma semaphore(%arg7 : memref<!tpu.dma_semaphore, #tpu.memory_space<semaphore_mem>>) src(%dma_wait3A_48 : memref<100352x128xf32, #tpu.memory_space<hbm>>) dst(%dma_wait3A_42 : memref<128x128xf32, #tpu.memory_space<vmem>>)
    %dma_wait3A_49 = arith.constant 1 : i32
    %dma_wait3A_50 = arith.constant 128 : i32
    %dma_wait3A_51 = arith.constant 0 : i32
    %dma_wait3A_52 = tpu.memref_slice %arg6[%dma_wait3A_50, %dma_wait3A_51] : memref<512x128xf32, #tpu.memory_space<vmem>> -> memref<128x128xf32, #tpu.memory_space<vmem>>
    %dma_wait3A_53 = arith.constant 0 : i32
    %dma_wait3A_54 = tpu.memref_slice %arg5[%dma_wait3A_49, %dma_wait3A_53] : memref<4x128xi32, #tpu.memory_space<vmem>> -> memref<1x128xi32, #tpu.memory_space<vmem>>
    %dma_wait3A_55 = tpu.memref_squeeze %dma_wait3A_54 : memref<1x128xi32, #tpu.memory_space<vmem>> -> memref<128xi32, #tpu.memory_space<vmem>>
    %dma_wait3A_56 = arith.constant 0 : i32
    %dma_wait3A_57 = arith.constant 0 : i32
    %dma_wait3A_58 = tpu.memref_slice %arg2[%dma_wait3A_56, %dma_wait3A_57] : memref<100352x128xf32, #tpu.memory_space<hbm>> -> memref<100352x128xf32, #tpu.memory_space<hbm>>
    tpu.wait_indirect_dma semaphore(%arg7 : memref<!tpu.dma_semaphore, #tpu.memory_space<semaphore_mem>>) src(%dma_wait3A_58 : memref<100352x128xf32, #tpu.memory_space<hbm>>) dst(%dma_wait3A_52 : memref<128x128xf32, #tpu.memory_space<vmem>>)
    %dma_wait3A_59 = arith.constant 2 : i32
    %dma_wait3A_60 = arith.constant 256 : i32
    %dma_wait3A_61 = arith.constant 0 : i32
    %dma_wait3A_62 = tpu.memref_slice %arg6[%dma_wait3A_60, %dma_wait3A_61] : memref<512x128xf32, #tpu.memory_space<vmem>> -> memref<128x128xf32, #tpu.memory_space<vmem>>
    %dma_wait3A_63 = arith.constant 0 : i32
    %dma_wait3A_64 = tpu.memref_slice %arg5[%dma_wait3A_59, %dma_wait3A_63] : memref<4x128xi32, #tpu.memory_space<vmem>> -> memref<1x128xi32, #tpu.memory_space<vmem>>
    %dma_wait3A_65 = tpu.memref_squeeze %dma_wait3A_64 : memref<1x128xi32, #tpu.memory_space<vmem>> -> memref<128xi32, #tpu.memory_space<vmem>>
    %dma_wait3A_66 = arith.constant 0 : i32
    %dma_wait3A_67 = arith.constant 0 : i32
    %dma_wait3A_68 = tpu.memref_slice %arg2[%dma_wait3A_66, %dma_wait3A_67] : memref<100352x128xf32, #tpu.memory_space<hbm>> -> memref<100352x128xf32, #tpu.memory_space<hbm>>
    tpu.wait_indirect_dma semaphore(%arg7 : memref<!tpu.dma_semaphore, #tpu.memory_space<semaphore_mem>>) src(%dma_wait3A_68 : memref<100352x128xf32, #tpu.memory_space<hbm>>) dst(%dma_wait3A_62 : memref<128x128xf32, #tpu.memory_space<vmem>>)
    %dma_wait3A_69 = arith.constant 3 : i32
    %dma_wait3A_70 = arith.constant 384 : i32
    %dma_wait3A_71 = arith.constant 0 : i32
    %dma_wait3A_72 = tpu.memref_slice %arg6[%dma_wait3A_70, %dma_wait3A_71] : memref<512x128xf32, #tpu.memory_space<vmem>> -> memref<128x128xf32, #tpu.memory_space<vmem>>
    %dma_wait3A_73 = arith.constant 0 : i32
    %dma_wait3A_74 = tpu.memref_slice %arg5[%dma_wait3A_69, %dma_wait3A_73] : memref<4x128xi32, #tpu.memory_space<vmem>> -> memref<1x128xi32, #tpu.memory_space<vmem>>
    %dma_wait3A_75 = tpu.memref_squeeze %dma_wait3A_74 : memref<1x128xi32, #tpu.memory_space<vmem>> -> memref<128xi32, #tpu.memory_space<vmem>>
    %dma_wait3A_76 = arith.constant 0 : i32
    %dma_wait3A_77 = arith.constant 0 : i32
    %dma_wait3A_78 = tpu.memref_slice %arg2[%dma_wait3A_76, %dma_wait3A_77] : memref<100352x128xf32, #tpu.memory_space<hbm>> -> memref<100352x128xf32, #tpu.memory_space<hbm>>
    tpu.wait_indirect_dma semaphore(%arg7 : memref<!tpu.dma_semaphore, #tpu.memory_space<semaphore_mem>>) src(%dma_wait3A_78 : memref<100352x128xf32, #tpu.memory_space<hbm>>) dst(%dma_wait3A_72 : memref<128x128xf32, #tpu.memory_space<vmem>>)
    %mul3A_79 = arith.constant 2048 : i32
    %mul3A_80 = arith.muli %add3A, %mul3A_79 : i32
    %add3A_81 = arith.constant 0 : i32
    %add3A_82 = arith.addi %mul3A_80, %add3A_81 : i32
    "tpu.region"() ({
      %run_scoped3A = tpu.sem_alloc : memref<!tpu.dma_semaphore, #tpu.memory_space<semaphore_mem>>
      %dma_start3A_335 = arith.constant 0 : i32
      %dma_start3A_336 = tpu.memref_slice %arg4[%add3A_82, %dma_start3A_335] : memref<65536x128xf32, #tpu.memory_space<hbm>> -> memref<512x128xf32, #tpu.memory_space<hbm>>
      %dma_start3A_337 = arith.constant 0 : i32
      %dma_start3A_338 = tpu.memref_slice %arg4[%add3A_82, %dma_start3A_337] : memref<65536x128xf32, #tpu.memory_space<hbm>> -> memref<512x128xf32, #tpu.memory_space<hbm>>
      tpu.enqueue_dma source(%arg6 : memref<512x128xf32, #tpu.memory_space<vmem>>) target(%dma_start3A_338 : memref<512x128xf32, #tpu.memory_space<hbm>>) target_semaphore(%run_scoped3A : memref<!tpu.dma_semaphore, #tpu.memory_space<semaphore_mem>>)
      %dma_wait3A_339 = arith.constant 0 : i32
      %dma_wait3A_340 = tpu.memref_slice %arg4[%add3A_82, %dma_wait3A_339] : memref<65536x128xf32, #tpu.memory_space<hbm>> -> memref<512x128xf32, #tpu.memory_space<hbm>>
      %dma_wait3A_341 = arith.constant 0 : i32
      %dma_wait3A_342 = tpu.memref_slice %arg4[%add3A_82, %dma_wait3A_341] : memref<65536x128xf32, #tpu.memory_space<hbm>> -> memref<512x128xf32, #tpu.memory_space<hbm>>
      tpu.wait_dma2 semaphore(%run_scoped3A : memref<!tpu.dma_semaphore, #tpu.memory_space<semaphore_mem>>) src(%arg6 : memref<512x128xf32, #tpu.memory_space<vmem>>) dst(%dma_wait3A_342 : memref<512x128xf32, #tpu.memory_space<hbm>>)
      tpu.yield
    }) : () -> ()
    "tpu.region"() ({
      %run_scoped3A = tpu.sem_alloc : memref<!tpu.dma_semaphore, #tpu.memory_space<semaphore_mem>>
      %dma_start3A_335 = arith.constant 4 : i32
      %dma_start3A_336 = arith.constant 0 : i32
      %dma_start3A_337 = tpu.memref_slice %arg3[%add3A, %dma_start3A_335, %dma_start3A_336] : memref<32x16x128xi32, #tpu.memory_space<hbm>> -> memref<1x4x128xi32, #tpu.memory_space<hbm>>
      %dma_start3A_338 = tpu.memref_squeeze %dma_start3A_337 : memref<1x4x128xi32, #tpu.memory_space<hbm>> -> memref<4x128xi32, #tpu.memory_space<hbm>>
      %dma_start3A_339 = arith.constant 4 : i32
      %dma_start3A_340 = arith.constant 0 : i32
      %dma_start3A_341 = tpu.memref_slice %arg3[%add3A, %dma_start3A_339, %dma_start3A_340] : memref<32x16x128xi32, #tpu.memory_space<hbm>> -> memref<1x4x128xi32, #tpu.memory_space<hbm>>
      %dma_start3A_342 = tpu.memref_squeeze %dma_start3A_341 : memref<1x4x128xi32, #tpu.memory_space<hbm>> -> memref<4x128xi32, #tpu.memory_space<hbm>>
      tpu.enqueue_dma source(%dma_start3A_342 : memref<4x128xi32, #tpu.memory_space<hbm>>) target(%arg5 : memref<4x128xi32, #tpu.memory_space<vmem>>) target_semaphore(%run_scoped3A : memref<!tpu.dma_semaphore, #tpu.memory_space<semaphore_mem>>)
      %dma_wait3A_343 = arith.constant 4 : i32
      %dma_wait3A_344 = arith.constant 0 : i32
      %dma_wait3A_345 = tpu.memref_slice %arg3[%add3A, %dma_wait3A_343, %dma_wait3A_344] : memref<32x16x128xi32, #tpu.memory_space<hbm>> -> memref<1x4x128xi32, #tpu.memory_space<hbm>>
      %dma_wait3A_346 = tpu.memref_squeeze %dma_wait3A_345 : memref<1x4x128xi32, #tpu.memory_space<hbm>> -> memref<4x128xi32, #tpu.memory_space<hbm>>
      %dma_wait3A_347 = arith.constant 4 : i32
      %dma_wait3A_348 = arith.constant 0 : i32
      %dma_wait3A_349 = tpu.memref_slice %arg3[%add3A, %dma_wait3A_347, %dma_wait3A_348] : memref<32x16x128xi32, #tpu.memory_space<hbm>> -> memref<1x4x128xi32, #tpu.memory_space<hbm>>
      %dma_wait3A_350 = tpu.memref_squeeze %dma_wait3A_349 : memref<1x4x128xi32, #tpu.memory_space<hbm>> -> memref<4x128xi32, #tpu.memory_space<hbm>>
      tpu.wait_dma2 semaphore(%run_scoped3A : memref<!tpu.dma_semaphore, #tpu.memory_space<semaphore_mem>>) src(%dma_wait3A_350 : memref<4x128xi32, #tpu.memory_space<hbm>>) dst(%arg5 : memref<4x128xi32, #tpu.memory_space<vmem>>)
      tpu.yield
    }) : () -> ()
    %dma_start3A_83 = arith.constant 0 : i32
    %dma_start3A_84 = arith.constant 0 : i32
    %dma_start3A_85 = arith.constant 0 : i32
    %dma_start3A_86 = tpu.memref_slice %arg6[%dma_start3A_84, %dma_start3A_85] : memref<512x128xf32, #tpu.memory_space<vmem>> -> memref<128x128xf32, #tpu.memory_space<vmem>>
    %dma_start3A_87 = arith.constant 0 : i32
    %dma_start3A_88 = tpu.memref_slice %arg5[%dma_start3A_83, %dma_start3A_87] : memref<4x128xi32, #tpu.memory_space<vmem>> -> memref<1x128xi32, #tpu.memory_space<vmem>>
    %dma_start3A_89 = tpu.memref_squeeze %dma_start3A_88 : memref<1x128xi32, #tpu.memory_space<vmem>> -> memref<128xi32, #tpu.memory_space<vmem>>
    %dma_start3A_90 = arith.constant 0 : i32
    %dma_start3A_91 = arith.constant 0 : i32
    %dma_start3A_92 = tpu.memref_slice %arg2[%dma_start3A_90, %dma_start3A_91] : memref<100352x128xf32, #tpu.memory_space<hbm>> -> memref<100352x128xf32, #tpu.memory_space<hbm>>
    tpu.enqueue_indirect_dma source(%dma_start3A_92 : memref<100352x128xf32, #tpu.memory_space<hbm>>) target(%dma_start3A_86 : memref<128x128xf32, #tpu.memory_space<vmem>>) offsets(%dma_start3A_89 : memref<128xi32, #tpu.memory_space<vmem>>) semaphore(%arg7 : memref<!tpu.dma_semaphore, #tpu.memory_space<semaphore_mem>>)
    %dma_start3A_93 = arith.constant 1 : i32
    %dma_start3A_94 = arith.constant 128 : i32
    %dma_start3A_95 = arith.constant 0 : i32
    %dma_start3A_96 = tpu.memref_slice %arg6[%dma_start3A_94, %dma_start3A_95] : memref<512x128xf32, #tpu.memory_space<vmem>> -> memref<128x128xf32, #tpu.memory_space<vmem>>
    %dma_start3A_97 = arith.constant 0 : i32
    %dma_start3A_98 = tpu.memref_slice %arg5[%dma_start3A_93, %dma_start3A_97] : memref<4x128xi32, #tpu.memory_space<vmem>> -> memref<1x128xi32, #tpu.memory_space<vmem>>
    %dma_start3A_99 = tpu.memref_squeeze %dma_start3A_98 : memref<1x128xi32, #tpu.memory_space<vmem>> -> memref<128xi32, #tpu.memory_space<vmem>>
    %dma_start3A_100 = arith.constant 0 : i32
    %dma_start3A_101 = arith.constant 0 : i32
    %dma_start3A_102 = tpu.memref_slice %arg2[%dma_start3A_100, %dma_start3A_101] : memref<100352x128xf32, #tpu.memory_space<hbm>> -> memref<100352x128xf32, #tpu.memory_space<hbm>>
    tpu.enqueue_indirect_dma source(%dma_start3A_102 : memref<100352x128xf32, #tpu.memory_space<hbm>>) target(%dma_start3A_96 : memref<128x128xf32, #tpu.memory_space<vmem>>) offsets(%dma_start3A_99 : memref<128xi32, #tpu.memory_space<vmem>>) semaphore(%arg7 : memref<!tpu.dma_semaphore, #tpu.memory_space<semaphore_mem>>)
    %dma_start3A_103 = arith.constant 2 : i32
    %dma_start3A_104 = arith.constant 256 : i32
    %dma_start3A_105 = arith.constant 0 : i32
    %dma_start3A_106 = tpu.memref_slice %arg6[%dma_start3A_104, %dma_start3A_105] : memref<512x128xf32, #tpu.memory_space<vmem>> -> memref<128x128xf32, #tpu.memory_space<vmem>>
    %dma_start3A_107 = arith.constant 0 : i32
    %dma_start3A_108 = tpu.memref_slice %arg5[%dma_start3A_103, %dma_start3A_107] : memref<4x128xi32, #tpu.memory_space<vmem>> -> memref<1x128xi32, #tpu.memory_space<vmem>>
    %dma_start3A_109 = tpu.memref_squeeze %dma_start3A_108 : memref<1x128xi32, #tpu.memory_space<vmem>> -> memref<128xi32, #tpu.memory_space<vmem>>
    %dma_start3A_110 = arith.constant 0 : i32
    %dma_start3A_111 = arith.constant 0 : i32
    %dma_start3A_112 = tpu.memref_slice %arg2[%dma_start3A_110, %dma_start3A_111] : memref<100352x128xf32, #tpu.memory_space<hbm>> -> memref<100352x128xf32, #tpu.memory_space<hbm>>
    tpu.enqueue_indirect_dma source(%dma_start3A_112 : memref<100352x128xf32, #tpu.memory_space<hbm>>) target(%dma_start3A_106 : memref<128x128xf32, #tpu.memory_space<vmem>>) offsets(%dma_start3A_109 : memref<128xi32, #tpu.memory_space<vmem>>) semaphore(%arg7 : memref<!tpu.dma_semaphore, #tpu.memory_space<semaphore_mem>>)
    %dma_start3A_113 = arith.constant 3 : i32
    %dma_start3A_114 = arith.constant 384 : i32
    %dma_start3A_115 = arith.constant 0 : i32
    %dma_start3A_116 = tpu.memref_slice %arg6[%dma_start3A_114, %dma_start3A_115] : memref<512x128xf32, #tpu.memory_space<vmem>> -> memref<128x128xf32, #tpu.memory_space<vmem>>
    %dma_start3A_117 = arith.constant 0 : i32
    %dma_start3A_118 = tpu.memref_slice %arg5[%dma_start3A_113, %dma_start3A_117] : memref<4x128xi32, #tpu.memory_space<vmem>> -> memref<1x128xi32, #tpu.memory_space<vmem>>
    %dma_start3A_119 = tpu.memref_squeeze %dma_start3A_118 : memref<1x128xi32, #tpu.memory_space<vmem>> -> memref<128xi32, #tpu.memory_space<vmem>>
    %dma_start3A_120 = arith.constant 0 : i32
    %dma_start3A_121 = arith.constant 0 : i32
    %dma_start3A_122 = tpu.memref_slice %arg2[%dma_start3A_120, %dma_start3A_121] : memref<100352x128xf32, #tpu.memory_space<hbm>> -> memref<100352x128xf32, #tpu.memory_space<hbm>>
    tpu.enqueue_indirect_dma source(%dma_start3A_122 : memref<100352x128xf32, #tpu.memory_space<hbm>>) target(%dma_start3A_116 : memref<128x128xf32, #tpu.memory_space<vmem>>) offsets(%dma_start3A_119 : memref<128xi32, #tpu.memory_space<vmem>>) semaphore(%arg7 : memref<!tpu.dma_semaphore, #tpu.memory_space<semaphore_mem>>)
    %dma_wait3A_123 = arith.constant 0 : i32
    %dma_wait3A_124 = arith.constant 0 : i32
    %dma_wait3A_125 = arith.constant 0 : i32
    %dma_wait3A_126 = tpu.memref_slice %arg6[%dma_wait3A_124, %dma_wait3A_125] : memref<512x128xf32, #tpu.memory_space<vmem>> -> memref<128x128xf32, #tpu.memory_space<vmem>>
    %dma_wait3A_127 = arith.constant 0 : i32
    %dma_wait3A_128 = tpu.memref_slice %arg5[%dma_wait3A_123, %dma_wait3A_127] : memref<4x128xi32, #tpu.memory_space<vmem>> -> memref<1x128xi32, #tpu.memory_space<vmem>>
    %dma_wait3A_129 = tpu.memref_squeeze %dma_wait3A_128 : memref<1x128xi32, #tpu.memory_space<vmem>> -> memref<128xi32, #tpu.memory_space<vmem>>
    %dma_wait3A_130 = arith.constant 0 : i32
    %dma_wait3A_131 = arith.constant 0 : i32
    %dma_wait3A_132 = tpu.memref_slice %arg2[%dma_wait3A_130, %dma_wait3A_131] : memref<100352x128xf32, #tpu.memory_space<hbm>> -> memref<100352x128xf32, #tpu.memory_space<hbm>>
    tpu.wait_indirect_dma semaphore(%arg7 : memref<!tpu.dma_semaphore, #tpu.memory_space<semaphore_mem>>) src(%dma_wait3A_132 : memref<100352x128xf32, #tpu.memory_space<hbm>>) dst(%dma_wait3A_126 : memref<128x128xf32, #tpu.memory_space<vmem>>)
    %dma_wait3A_133 = arith.constant 1 : i32
    %dma_wait3A_134 = arith.constant 128 : i32
    %dma_wait3A_135 = arith.constant 0 : i32
    %dma_wait3A_136 = tpu.memref_slice %arg6[%dma_wait3A_134, %dma_wait3A_135] : memref<512x128xf32, #tpu.memory_space<vmem>> -> memref<128x128xf32, #tpu.memory_space<vmem>>
    %dma_wait3A_137 = arith.constant 0 : i32
    %dma_wait3A_138 = tpu.memref_slice %arg5[%dma_wait3A_133, %dma_wait3A_137] : memref<4x128xi32, #tpu.memory_space<vmem>> -> memref<1x128xi32, #tpu.memory_space<vmem>>
    %dma_wait3A_139 = tpu.memref_squeeze %dma_wait3A_138 : memref<1x128xi32, #tpu.memory_space<vmem>> -> memref<128xi32, #tpu.memory_space<vmem>>
    %dma_wait3A_140 = arith.constant 0 : i32
    %dma_wait3A_141 = arith.constant 0 : i32
    %dma_wait3A_142 = tpu.memref_slice %arg2[%dma_wait3A_140, %dma_wait3A_141] : memref<100352x128xf32, #tpu.memory_space<hbm>> -> memref<100352x128xf32, #tpu.memory_space<hbm>>
    tpu.wait_indirect_dma semaphore(%arg7 : memref<!tpu.dma_semaphore, #tpu.memory_space<semaphore_mem>>) src(%dma_wait3A_142 : memref<100352x128xf32, #tpu.memory_space<hbm>>) dst(%dma_wait3A_136 : memref<128x128xf32, #tpu.memory_space<vmem>>)
    %dma_wait3A_143 = arith.constant 2 : i32
    %dma_wait3A_144 = arith.constant 256 : i32
    %dma_wait3A_145 = arith.constant 0 : i32
    %dma_wait3A_146 = tpu.memref_slice %arg6[%dma_wait3A_144, %dma_wait3A_145] : memref<512x128xf32, #tpu.memory_space<vmem>> -> memref<128x128xf32, #tpu.memory_space<vmem>>
    %dma_wait3A_147 = arith.constant 0 : i32
    %dma_wait3A_148 = tpu.memref_slice %arg5[%dma_wait3A_143, %dma_wait3A_147] : memref<4x128xi32, #tpu.memory_space<vmem>> -> memref<1x128xi32, #tpu.memory_space<vmem>>
    %dma_wait3A_149 = tpu.memref_squeeze %dma_wait3A_148 : memref<1x128xi32, #tpu.memory_space<vmem>> -> memref<128xi32, #tpu.memory_space<vmem>>
    %dma_wait3A_150 = arith.constant 0 : i32
    %dma_wait3A_151 = arith.constant 0 : i32
    %dma_wait3A_152 = tpu.memref_slice %arg2[%dma_wait3A_150, %dma_wait3A_151] : memref<100352x128xf32, #tpu.memory_space<hbm>> -> memref<100352x128xf32, #tpu.memory_space<hbm>>
    tpu.wait_indirect_dma semaphore(%arg7 : memref<!tpu.dma_semaphore, #tpu.memory_space<semaphore_mem>>) src(%dma_wait3A_152 : memref<100352x128xf32, #tpu.memory_space<hbm>>) dst(%dma_wait3A_146 : memref<128x128xf32, #tpu.memory_space<vmem>>)
    %dma_wait3A_153 = arith.constant 3 : i32
    %dma_wait3A_154 = arith.constant 384 : i32
    %dma_wait3A_155 = arith.constant 0 : i32
    %dma_wait3A_156 = tpu.memref_slice %arg6[%dma_wait3A_154, %dma_wait3A_155] : memref<512x128xf32, #tpu.memory_space<vmem>> -> memref<128x128xf32, #tpu.memory_space<vmem>>
    %dma_wait3A_157 = arith.constant 0 : i32
    %dma_wait3A_158 = tpu.memref_slice %arg5[%dma_wait3A_153, %dma_wait3A_157] : memref<4x128xi32, #tpu.memory_space<vmem>> -> memref<1x128xi32, #tpu.memory_space<vmem>>
    %dma_wait3A_159 = tpu.memref_squeeze %dma_wait3A_158 : memref<1x128xi32, #tpu.memory_space<vmem>> -> memref<128xi32, #tpu.memory_space<vmem>>
    %dma_wait3A_160 = arith.constant 0 : i32
    %dma_wait3A_161 = arith.constant 0 : i32
    %dma_wait3A_162 = tpu.memref_slice %arg2[%dma_wait3A_160, %dma_wait3A_161] : memref<100352x128xf32, #tpu.memory_space<hbm>> -> memref<100352x128xf32, #tpu.memory_space<hbm>>
    tpu.wait_indirect_dma semaphore(%arg7 : memref<!tpu.dma_semaphore, #tpu.memory_space<semaphore_mem>>) src(%dma_wait3A_162 : memref<100352x128xf32, #tpu.memory_space<hbm>>) dst(%dma_wait3A_156 : memref<128x128xf32, #tpu.memory_space<vmem>>)
    %mul3A_163 = arith.constant 2048 : i32
    %mul3A_164 = arith.muli %add3A, %mul3A_163 : i32
    %add3A_165 = arith.constant 512 : i32
    %add3A_166 = arith.addi %mul3A_164, %add3A_165 : i32
    "tpu.region"() ({
      %run_scoped3A = tpu.sem_alloc : memref<!tpu.dma_semaphore, #tpu.memory_space<semaphore_mem>>
      %dma_start3A_335 = arith.constant 0 : i32
      %dma_start3A_336 = tpu.memref_slice %arg4[%add3A_166, %dma_start3A_335] : memref<65536x128xf32, #tpu.memory_space<hbm>> -> memref<512x128xf32, #tpu.memory_space<hbm>>
      %dma_start3A_337 = arith.constant 0 : i32
      %dma_start3A_338 = tpu.memref_slice %arg4[%add3A_166, %dma_start3A_337] : memref<65536x128xf32, #tpu.memory_space<hbm>> -> memref<512x128xf32, #tpu.memory_space<hbm>>
      tpu.enqueue_dma source(%arg6 : memref<512x128xf32, #tpu.memory_space<vmem>>) target(%dma_start3A_338 : memref<512x128xf32, #tpu.memory_space<hbm>>) target_semaphore(%run_scoped3A : memref<!tpu.dma_semaphore, #tpu.memory_space<semaphore_mem>>)
      %dma_wait3A_339 = arith.constant 0 : i32
      %dma_wait3A_340 = tpu.memref_slice %arg4[%add3A_166, %dma_wait3A_339] : memref<65536x128xf32, #tpu.memory_space<hbm>> -> memref<512x128xf32, #tpu.memory_space<hbm>>
      %dma_wait3A_341 = arith.constant 0 : i32
      %dma_wait3A_342 = tpu.memref_slice %arg4[%add3A_166, %dma_wait3A_341] : memref<65536x128xf32, #tpu.memory_space<hbm>> -> memref<512x128xf32, #tpu.memory_space<hbm>>
      tpu.wait_dma2 semaphore(%run_scoped3A : memref<!tpu.dma_semaphore, #tpu.memory_space<semaphore_mem>>) src(%arg6 : memref<512x128xf32, #tpu.memory_space<vmem>>) dst(%dma_wait3A_342 : memref<512x128xf32, #tpu.memory_space<hbm>>)
      tpu.yield
    }) : () -> ()
    "tpu.region"() ({
      %run_scoped3A = tpu.sem_alloc : memref<!tpu.dma_semaphore, #tpu.memory_space<semaphore_mem>>
      %dma_start3A_335 = arith.constant 8 : i32
      %dma_start3A_336 = arith.constant 0 : i32
      %dma_start3A_337 = tpu.memref_slice %arg3[%add3A, %dma_start3A_335, %dma_start3A_336] : memref<32x16x128xi32, #tpu.memory_space<hbm>> -> memref<1x4x128xi32, #tpu.memory_space<hbm>>
      %dma_start3A_338 = tpu.memref_squeeze %dma_start3A_337 : memref<1x4x128xi32, #tpu.memory_space<hbm>> -> memref<4x128xi32, #tpu.memory_space<hbm>>
      %dma_start3A_339 = arith.constant 8 : i32
      %dma_start3A_340 = arith.constant 0 : i32
      %dma_start3A_341 = tpu.memref_slice %arg3[%add3A, %dma_start3A_339, %dma_start3A_340] : memref<32x16x128xi32, #tpu.memory_space<hbm>> -> memref<1x4x128xi32, #tpu.memory_space<hbm>>
      %dma_start3A_342 = tpu.memref_squeeze %dma_start3A_341 : memref<1x4x128xi32, #tpu.memory_space<hbm>> -> memref<4x128xi32, #tpu.memory_space<hbm>>
      tpu.enqueue_dma source(%dma_start3A_342 : memref<4x128xi32, #tpu.memory_space<hbm>>) target(%arg5 : memref<4x128xi32, #tpu.memory_space<vmem>>) target_semaphore(%run_scoped3A : memref<!tpu.dma_semaphore, #tpu.memory_space<semaphore_mem>>)
      %dma_wait3A_343 = arith.constant 8 : i32
      %dma_wait3A_344 = arith.constant 0 : i32
      %dma_wait3A_345 = tpu.memref_slice %arg3[%add3A, %dma_wait3A_343, %dma_wait3A_344] : memref<32x16x128xi32, #tpu.memory_space<hbm>> -> memref<1x4x128xi32, #tpu.memory_space<hbm>>
      %dma_wait3A_346 = tpu.memref_squeeze %dma_wait3A_345 : memref<1x4x128xi32, #tpu.memory_space<hbm>> -> memref<4x128xi32, #tpu.memory_space<hbm>>
      %dma_wait3A_347 = arith.constant 8 : i32
      %dma_wait3A_348 = arith.constant 0 : i32
      %dma_wait3A_349 = tpu.memref_slice %arg3[%add3A, %dma_wait3A_347, %dma_wait3A_348] : memref<32x16x128xi32, #tpu.memory_space<hbm>> -> memref<1x4x128xi32, #tpu.memory_space<hbm>>
      %dma_wait3A_350 = tpu.memref_squeeze %dma_wait3A_349 : memref<1x4x128xi32, #tpu.memory_space<hbm>> -> memref<4x128xi32, #tpu.memory_space<hbm>>
      tpu.wait_dma2 semaphore(%run_scoped3A : memref<!tpu.dma_semaphore, #tpu.memory_space<semaphore_mem>>) src(%dma_wait3A_350 : memref<4x128xi32, #tpu.memory_space<hbm>>) dst(%arg5 : memref<4x128xi32, #tpu.memory_space<vmem>>)
      tpu.yield
    }) : () -> ()
    %dma_start3A_167 = arith.constant 0 : i32
    %dma_start3A_168 = arith.constant 0 : i32
    %dma_start3A_169 = arith.constant 0 : i32
    %dma_start3A_170 = tpu.memref_slice %arg6[%dma_start3A_168, %dma_start3A_169] : memref<512x128xf32, #tpu.memory_space<vmem>> -> memref<128x128xf32, #tpu.memory_space<vmem>>
    %dma_start3A_171 = arith.constant 0 : i32
    %dma_start3A_172 = tpu.memref_slice %arg5[%dma_start3A_167, %dma_start3A_171] : memref<4x128xi32, #tpu.memory_space<vmem>> -> memref<1x128xi32, #tpu.memory_space<vmem>>
    %dma_start3A_173 = tpu.memref_squeeze %dma_start3A_172 : memref<1x128xi32, #tpu.memory_space<vmem>> -> memref<128xi32, #tpu.memory_space<vmem>>
    %dma_start3A_174 = arith.constant 0 : i32
    %dma_start3A_175 = arith.constant 0 : i32
    %dma_start3A_176 = tpu.memref_slice %arg2[%dma_start3A_174, %dma_start3A_175] : memref<100352x128xf32, #tpu.memory_space<hbm>> -> memref<100352x128xf32, #tpu.memory_space<hbm>>
    tpu.enqueue_indirect_dma source(%dma_start3A_176 : memref<100352x128xf32, #tpu.memory_space<hbm>>) target(%dma_start3A_170 : memref<128x128xf32, #tpu.memory_space<vmem>>) offsets(%dma_start3A_173 : memref<128xi32, #tpu.memory_space<vmem>>) semaphore(%arg7 : memref<!tpu.dma_semaphore, #tpu.memory_space<semaphore_mem>>)
    %dma_start3A_177 = arith.constant 1 : i32
    %dma_start3A_178 = arith.constant 128 : i32
    %dma_start3A_179 = arith.constant 0 : i32
    %dma_start3A_180 = tpu.memref_slice %arg6[%dma_start3A_178, %dma_start3A_179] : memref<512x128xf32, #tpu.memory_space<vmem>> -> memref<128x128xf32, #tpu.memory_space<vmem>>
    %dma_start3A_181 = arith.constant 0 : i32
    %dma_start3A_182 = tpu.memref_slice %arg5[%dma_start3A_177, %dma_start3A_181] : memref<4x128xi32, #tpu.memory_space<vmem>> -> memref<1x128xi32, #tpu.memory_space<vmem>>
    %dma_start3A_183 = tpu.memref_squeeze %dma_start3A_182 : memref<1x128xi32, #tpu.memory_space<vmem>> -> memref<128xi32, #tpu.memory_space<vmem>>
    %dma_start3A_184 = arith.constant 0 : i32
    %dma_start3A_185 = arith.constant 0 : i32
    %dma_start3A_186 = tpu.memref_slice %arg2[%dma_start3A_184, %dma_start3A_185] : memref<100352x128xf32, #tpu.memory_space<hbm>> -> memref<100352x128xf32, #tpu.memory_space<hbm>>
    tpu.enqueue_indirect_dma source(%dma_start3A_186 : memref<100352x128xf32, #tpu.memory_space<hbm>>) target(%dma_start3A_180 : memref<128x128xf32, #tpu.memory_space<vmem>>) offsets(%dma_start3A_183 : memref<128xi32, #tpu.memory_space<vmem>>) semaphore(%arg7 : memref<!tpu.dma_semaphore, #tpu.memory_space<semaphore_mem>>)
    %dma_start3A_187 = arith.constant 2 : i32
    %dma_start3A_188 = arith.constant 256 : i32
    %dma_start3A_189 = arith.constant 0 : i32
    %dma_start3A_190 = tpu.memref_slice %arg6[%dma_start3A_188, %dma_start3A_189] : memref<512x128xf32, #tpu.memory_space<vmem>> -> memref<128x128xf32, #tpu.memory_space<vmem>>
    %dma_start3A_191 = arith.constant 0 : i32
    %dma_start3A_192 = tpu.memref_slice %arg5[%dma_start3A_187, %dma_start3A_191] : memref<4x128xi32, #tpu.memory_space<vmem>> -> memref<1x128xi32, #tpu.memory_space<vmem>>
    %dma_start3A_193 = tpu.memref_squeeze %dma_start3A_192 : memref<1x128xi32, #tpu.memory_space<vmem>> -> memref<128xi32, #tpu.memory_space<vmem>>
    %dma_start3A_194 = arith.constant 0 : i32
    %dma_start3A_195 = arith.constant 0 : i32
    %dma_start3A_196 = tpu.memref_slice %arg2[%dma_start3A_194, %dma_start3A_195] : memref<100352x128xf32, #tpu.memory_space<hbm>> -> memref<100352x128xf32, #tpu.memory_space<hbm>>
    tpu.enqueue_indirect_dma source(%dma_start3A_196 : memref<100352x128xf32, #tpu.memory_space<hbm>>) target(%dma_start3A_190 : memref<128x128xf32, #tpu.memory_space<vmem>>) offsets(%dma_start3A_193 : memref<128xi32, #tpu.memory_space<vmem>>) semaphore(%arg7 : memref<!tpu.dma_semaphore, #tpu.memory_space<semaphore_mem>>)
    %dma_start3A_197 = arith.constant 3 : i32
    %dma_start3A_198 = arith.constant 384 : i32
    %dma_start3A_199 = arith.constant 0 : i32
    %dma_start3A_200 = tpu.memref_slice %arg6[%dma_start3A_198, %dma_start3A_199] : memref<512x128xf32, #tpu.memory_space<vmem>> -> memref<128x128xf32, #tpu.memory_space<vmem>>
    %dma_start3A_201 = arith.constant 0 : i32
    %dma_start3A_202 = tpu.memref_slice %arg5[%dma_start3A_197, %dma_start3A_201] : memref<4x128xi32, #tpu.memory_space<vmem>> -> memref<1x128xi32, #tpu.memory_space<vmem>>
    %dma_start3A_203 = tpu.memref_squeeze %dma_start3A_202 : memref<1x128xi32, #tpu.memory_space<vmem>> -> memref<128xi32, #tpu.memory_space<vmem>>
    %dma_start3A_204 = arith.constant 0 : i32
    %dma_start3A_205 = arith.constant 0 : i32
    %dma_start3A_206 = tpu.memref_slice %arg2[%dma_start3A_204, %dma_start3A_205] : memref<100352x128xf32, #tpu.memory_space<hbm>> -> memref<100352x128xf32, #tpu.memory_space<hbm>>
    tpu.enqueue_indirect_dma source(%dma_start3A_206 : memref<100352x128xf32, #tpu.memory_space<hbm>>) target(%dma_start3A_200 : memref<128x128xf32, #tpu.memory_space<vmem>>) offsets(%dma_start3A_203 : memref<128xi32, #tpu.memory_space<vmem>>) semaphore(%arg7 : memref<!tpu.dma_semaphore, #tpu.memory_space<semaphore_mem>>)
    %dma_wait3A_207 = arith.constant 0 : i32
    %dma_wait3A_208 = arith.constant 0 : i32
    %dma_wait3A_209 = arith.constant 0 : i32
    %dma_wait3A_210 = tpu.memref_slice %arg6[%dma_wait3A_208, %dma_wait3A_209] : memref<512x128xf32, #tpu.memory_space<vmem>> -> memref<128x128xf32, #tpu.memory_space<vmem>>
    %dma_wait3A_211 = arith.constant 0 : i32
    %dma_wait3A_212 = tpu.memref_slice %arg5[%dma_wait3A_207, %dma_wait3A_211] : memref<4x128xi32, #tpu.memory_space<vmem>> -> memref<1x128xi32, #tpu.memory_space<vmem>>
    %dma_wait3A_213 = tpu.memref_squeeze %dma_wait3A_212 : memref<1x128xi32, #tpu.memory_space<vmem>> -> memref<128xi32, #tpu.memory_space<vmem>>
    %dma_wait3A_214 = arith.constant 0 : i32
    %dma_wait3A_215 = arith.constant 0 : i32
    %dma_wait3A_216 = tpu.memref_slice %arg2[%dma_wait3A_214, %dma_wait3A_215] : memref<100352x128xf32, #tpu.memory_space<hbm>> -> memref<100352x128xf32, #tpu.memory_space<hbm>>
    tpu.wait_indirect_dma semaphore(%arg7 : memref<!tpu.dma_semaphore, #tpu.memory_space<semaphore_mem>>) src(%dma_wait3A_216 : memref<100352x128xf32, #tpu.memory_space<hbm>>) dst(%dma_wait3A_210 : memref<128x128xf32, #tpu.memory_space<vmem>>)
    %dma_wait3A_217 = arith.constant 1 : i32
    %dma_wait3A_218 = arith.constant 128 : i32
    %dma_wait3A_219 = arith.constant 0 : i32
    %dma_wait3A_220 = tpu.memref_slice %arg6[%dma_wait3A_218, %dma_wait3A_219] : memref<512x128xf32, #tpu.memory_space<vmem>> -> memref<128x128xf32, #tpu.memory_space<vmem>>
    %dma_wait3A_221 = arith.constant 0 : i32
    %dma_wait3A_222 = tpu.memref_slice %arg5[%dma_wait3A_217, %dma_wait3A_221] : memref<4x128xi32, #tpu.memory_space<vmem>> -> memref<1x128xi32, #tpu.memory_space<vmem>>
    %dma_wait3A_223 = tpu.memref_squeeze %dma_wait3A_222 : memref<1x128xi32, #tpu.memory_space<vmem>> -> memref<128xi32, #tpu.memory_space<vmem>>
    %dma_wait3A_224 = arith.constant 0 : i32
    %dma_wait3A_225 = arith.constant 0 : i32
    %dma_wait3A_226 = tpu.memref_slice %arg2[%dma_wait3A_224, %dma_wait3A_225] : memref<100352x128xf32, #tpu.memory_space<hbm>> -> memref<100352x128xf32, #tpu.memory_space<hbm>>
    tpu.wait_indirect_dma semaphore(%arg7 : memref<!tpu.dma_semaphore, #tpu.memory_space<semaphore_mem>>) src(%dma_wait3A_226 : memref<100352x128xf32, #tpu.memory_space<hbm>>) dst(%dma_wait3A_220 : memref<128x128xf32, #tpu.memory_space<vmem>>)
    %dma_wait3A_227 = arith.constant 2 : i32
    %dma_wait3A_228 = arith.constant 256 : i32
    %dma_wait3A_229 = arith.constant 0 : i32
    %dma_wait3A_230 = tpu.memref_slice %arg6[%dma_wait3A_228, %dma_wait3A_229] : memref<512x128xf32, #tpu.memory_space<vmem>> -> memref<128x128xf32, #tpu.memory_space<vmem>>
    %dma_wait3A_231 = arith.constant 0 : i32
    %dma_wait3A_232 = tpu.memref_slice %arg5[%dma_wait3A_227, %dma_wait3A_231] : memref<4x128xi32, #tpu.memory_space<vmem>> -> memref<1x128xi32, #tpu.memory_space<vmem>>
    %dma_wait3A_233 = tpu.memref_squeeze %dma_wait3A_232 : memref<1x128xi32, #tpu.memory_space<vmem>> -> memref<128xi32, #tpu.memory_space<vmem>>
    %dma_wait3A_234 = arith.constant 0 : i32
    %dma_wait3A_235 = arith.constant 0 : i32
    %dma_wait3A_236 = tpu.memref_slice %arg2[%dma_wait3A_234, %dma_wait3A_235] : memref<100352x128xf32, #tpu.memory_space<hbm>> -> memref<100352x128xf32, #tpu.memory_space<hbm>>
    tpu.wait_indirect_dma semaphore(%arg7 : memref<!tpu.dma_semaphore, #tpu.memory_space<semaphore_mem>>) src(%dma_wait3A_236 : memref<100352x128xf32, #tpu.memory_space<hbm>>) dst(%dma_wait3A_230 : memref<128x128xf32, #tpu.memory_space<vmem>>)
    %dma_wait3A_237 = arith.constant 3 : i32
    %dma_wait3A_238 = arith.constant 384 : i32
    %dma_wait3A_239 = arith.constant 0 : i32
    %dma_wait3A_240 = tpu.memref_slice %arg6[%dma_wait3A_238, %dma_wait3A_239] : memref<512x128xf32, #tpu.memory_space<vmem>> -> memref<128x128xf32, #tpu.memory_space<vmem>>
    %dma_wait3A_241 = arith.constant 0 : i32
    %dma_wait3A_242 = tpu.memref_slice %arg5[%dma_wait3A_237, %dma_wait3A_241] : memref<4x128xi32, #tpu.memory_space<vmem>> -> memref<1x128xi32, #tpu.memory_space<vmem>>
    %dma_wait3A_243 = tpu.memref_squeeze %dma_wait3A_242 : memref<1x128xi32, #tpu.memory_space<vmem>> -> memref<128xi32, #tpu.memory_space<vmem>>
    %dma_wait3A_244 = arith.constant 0 : i32
    %dma_wait3A_245 = arith.constant 0 : i32
    %dma_wait3A_246 = tpu.memref_slice %arg2[%dma_wait3A_244, %dma_wait3A_245] : memref<100352x128xf32, #tpu.memory_space<hbm>> -> memref<100352x128xf32, #tpu.memory_space<hbm>>
    tpu.wait_indirect_dma semaphore(%arg7 : memref<!tpu.dma_semaphore, #tpu.memory_space<semaphore_mem>>) src(%dma_wait3A_246 : memref<100352x128xf32, #tpu.memory_space<hbm>>) dst(%dma_wait3A_240 : memref<128x128xf32, #tpu.memory_space<vmem>>)
    %mul3A_247 = arith.constant 2048 : i32
    %mul3A_248 = arith.muli %add3A, %mul3A_247 : i32
    %add3A_249 = arith.constant 1024 : i32
    %add3A_250 = arith.addi %mul3A_248, %add3A_249 : i32
    "tpu.region"() ({
      %run_scoped3A = tpu.sem_alloc : memref<!tpu.dma_semaphore, #tpu.memory_space<semaphore_mem>>
      %dma_start3A_335 = arith.constant 0 : i32
      %dma_start3A_336 = tpu.memref_slice %arg4[%add3A_250, %dma_start3A_335] : memref<65536x128xf32, #tpu.memory_space<hbm>> -> memref<512x128xf32, #tpu.memory_space<hbm>>
      %dma_start3A_337 = arith.constant 0 : i32
      %dma_start3A_338 = tpu.memref_slice %arg4[%add3A_250, %dma_start3A_337] : memref<65536x128xf32, #tpu.memory_space<hbm>> -> memref<512x128xf32, #tpu.memory_space<hbm>>
      tpu.enqueue_dma source(%arg6 : memref<512x128xf32, #tpu.memory_space<vmem>>) target(%dma_start3A_338 : memref<512x128xf32, #tpu.memory_space<hbm>>) target_semaphore(%run_scoped3A : memref<!tpu.dma_semaphore, #tpu.memory_space<semaphore_mem>>)
      %dma_wait3A_339 = arith.constant 0 : i32
      %dma_wait3A_340 = tpu.memref_slice %arg4[%add3A_250, %dma_wait3A_339] : memref<65536x128xf32, #tpu.memory_space<hbm>> -> memref<512x128xf32, #tpu.memory_space<hbm>>
      %dma_wait3A_341 = arith.constant 0 : i32
      %dma_wait3A_342 = tpu.memref_slice %arg4[%add3A_250, %dma_wait3A_341] : memref<65536x128xf32, #tpu.memory_space<hbm>> -> memref<512x128xf32, #tpu.memory_space<hbm>>
      tpu.wait_dma2 semaphore(%run_scoped3A : memref<!tpu.dma_semaphore, #tpu.memory_space<semaphore_mem>>) src(%arg6 : memref<512x128xf32, #tpu.memory_space<vmem>>) dst(%dma_wait3A_342 : memref<512x128xf32, #tpu.memory_space<hbm>>)
      tpu.yield
    }) : () -> ()
    "tpu.region"() ({
      %run_scoped3A = tpu.sem_alloc : memref<!tpu.dma_semaphore, #tpu.memory_space<semaphore_mem>>
      %dma_start3A_335 = arith.constant 12 : i32
      %dma_start3A_336 = arith.constant 0 : i32
      %dma_start3A_337 = tpu.memref_slice %arg3[%add3A, %dma_start3A_335, %dma_start3A_336] : memref<32x16x128xi32, #tpu.memory_space<hbm>> -> memref<1x4x128xi32, #tpu.memory_space<hbm>>
      %dma_start3A_338 = tpu.memref_squeeze %dma_start3A_337 : memref<1x4x128xi32, #tpu.memory_space<hbm>> -> memref<4x128xi32, #tpu.memory_space<hbm>>
      %dma_start3A_339 = arith.constant 12 : i32
      %dma_start3A_340 = arith.constant 0 : i32
      %dma_start3A_341 = tpu.memref_slice %arg3[%add3A, %dma_start3A_339, %dma_start3A_340] : memref<32x16x128xi32, #tpu.memory_space<hbm>> -> memref<1x4x128xi32, #tpu.memory_space<hbm>>
      %dma_start3A_342 = tpu.memref_squeeze %dma_start3A_341 : memref<1x4x128xi32, #tpu.memory_space<hbm>> -> memref<4x128xi32, #tpu.memory_space<hbm>>
      tpu.enqueue_dma source(%dma_start3A_342 : memref<4x128xi32, #tpu.memory_space<hbm>>) target(%arg5 : memref<4x128xi32, #tpu.memory_space<vmem>>) target_semaphore(%run_scoped3A : memref<!tpu.dma_semaphore, #tpu.memory_space<semaphore_mem>>)
      %dma_wait3A_343 = arith.constant 12 : i32
      %dma_wait3A_344 = arith.constant 0 : i32
      %dma_wait3A_345 = tpu.memref_slice %arg3[%add3A, %dma_wait3A_343, %dma_wait3A_344] : memref<32x16x128xi32, #tpu.memory_space<hbm>> -> memref<1x4x128xi32, #tpu.memory_space<hbm>>
      %dma_wait3A_346 = tpu.memref_squeeze %dma_wait3A_345 : memref<1x4x128xi32, #tpu.memory_space<hbm>> -> memref<4x128xi32, #tpu.memory_space<hbm>>
      %dma_wait3A_347 = arith.constant 12 : i32
      %dma_wait3A_348 = arith.constant 0 : i32
      %dma_wait3A_349 = tpu.memref_slice %arg3[%add3A, %dma_wait3A_347, %dma_wait3A_348] : memref<32x16x128xi32, #tpu.memory_space<hbm>> -> memref<1x4x128xi32, #tpu.memory_space<hbm>>
      %dma_wait3A_350 = tpu.memref_squeeze %dma_wait3A_349 : memref<1x4x128xi32, #tpu.memory_space<hbm>> -> memref<4x128xi32, #tpu.memory_space<hbm>>
      tpu.wait_dma2 semaphore(%run_scoped3A : memref<!tpu.dma_semaphore, #tpu.memory_space<semaphore_mem>>) src(%dma_wait3A_350 : memref<4x128xi32, #tpu.memory_space<hbm>>) dst(%arg5 : memref<4x128xi32, #tpu.memory_space<vmem>>)
      tpu.yield
    }) : () -> ()
    %dma_start3A_251 = arith.constant 0 : i32
    %dma_start3A_252 = arith.constant 0 : i32
    %dma_start3A_253 = arith.constant 0 : i32
    %dma_start3A_254 = tpu.memref_slice %arg6[%dma_start3A_252, %dma_start3A_253] : memref<512x128xf32, #tpu.memory_space<vmem>> -> memref<128x128xf32, #tpu.memory_space<vmem>>
    %dma_start3A_255 = arith.constant 0 : i32
    %dma_start3A_256 = tpu.memref_slice %arg5[%dma_start3A_251, %dma_start3A_255] : memref<4x128xi32, #tpu.memory_space<vmem>> -> memref<1x128xi32, #tpu.memory_space<vmem>>
    %dma_start3A_257 = tpu.memref_squeeze %dma_start3A_256 : memref<1x128xi32, #tpu.memory_space<vmem>> -> memref<128xi32, #tpu.memory_space<vmem>>
    %dma_start3A_258 = arith.constant 0 : i32
    %dma_start3A_259 = arith.constant 0 : i32
    %dma_start3A_260 = tpu.memref_slice %arg2[%dma_start3A_258, %dma_start3A_259] : memref<100352x128xf32, #tpu.memory_space<hbm>> -> memref<100352x128xf32, #tpu.memory_space<hbm>>
    tpu.enqueue_indirect_dma source(%dma_start3A_260 : memref<100352x128xf32, #tpu.memory_space<hbm>>) target(%dma_start3A_254 : memref<128x128xf32, #tpu.memory_space<vmem>>) offsets(%dma_start3A_257 : memref<128xi32, #tpu.memory_space<vmem>>) semaphore(%arg7 : memref<!tpu.dma_semaphore, #tpu.memory_space<semaphore_mem>>)
    %dma_start3A_261 = arith.constant 1 : i32
    %dma_start3A_262 = arith.constant 128 : i32
    %dma_start3A_263 = arith.constant 0 : i32
    %dma_start3A_264 = tpu.memref_slice %arg6[%dma_start3A_262, %dma_start3A_263] : memref<512x128xf32, #tpu.memory_space<vmem>> -> memref<128x128xf32, #tpu.memory_space<vmem>>
    %dma_start3A_265 = arith.constant 0 : i32
    %dma_start3A_266 = tpu.memref_slice %arg5[%dma_start3A_261, %dma_start3A_265] : memref<4x128xi32, #tpu.memory_space<vmem>> -> memref<1x128xi32, #tpu.memory_space<vmem>>
    %dma_start3A_267 = tpu.memref_squeeze %dma_start3A_266 : memref<1x128xi32, #tpu.memory_space<vmem>> -> memref<128xi32, #tpu.memory_space<vmem>>
    %dma_start3A_268 = arith.constant 0 : i32
    %dma_start3A_269 = arith.constant 0 : i32
    %dma_start3A_270 = tpu.memref_slice %arg2[%dma_start3A_268, %dma_start3A_269] : memref<100352x128xf32, #tpu.memory_space<hbm>> -> memref<100352x128xf32, #tpu.memory_space<hbm>>
    tpu.enqueue_indirect_dma source(%dma_start3A_270 : memref<100352x128xf32, #tpu.memory_space<hbm>>) target(%dma_start3A_264 : memref<128x128xf32, #tpu.memory_space<vmem>>) offsets(%dma_start3A_267 : memref<128xi32, #tpu.memory_space<vmem>>) semaphore(%arg7 : memref<!tpu.dma_semaphore, #tpu.memory_space<semaphore_mem>>)
    %dma_start3A_271 = arith.constant 2 : i32
    %dma_start3A_272 = arith.constant 256 : i32
    %dma_start3A_273 = arith.constant 0 : i32
    %dma_start3A_274 = tpu.memref_slice %arg6[%dma_start3A_272, %dma_start3A_273] : memref<512x128xf32, #tpu.memory_space<vmem>> -> memref<128x128xf32, #tpu.memory_space<vmem>>
    %dma_start3A_275 = arith.constant 0 : i32
    %dma_start3A_276 = tpu.memref_slice %arg5[%dma_start3A_271, %dma_start3A_275] : memref<4x128xi32, #tpu.memory_space<vmem>> -> memref<1x128xi32, #tpu.memory_space<vmem>>
    %dma_start3A_277 = tpu.memref_squeeze %dma_start3A_276 : memref<1x128xi32, #tpu.memory_space<vmem>> -> memref<128xi32, #tpu.memory_space<vmem>>
    %dma_start3A_278 = arith.constant 0 : i32
    %dma_start3A_279 = arith.constant 0 : i32
    %dma_start3A_280 = tpu.memref_slice %arg2[%dma_start3A_278, %dma_start3A_279] : memref<100352x128xf32, #tpu.memory_space<hbm>> -> memref<100352x128xf32, #tpu.memory_space<hbm>>
    tpu.enqueue_indirect_dma source(%dma_start3A_280 : memref<100352x128xf32, #tpu.memory_space<hbm>>) target(%dma_start3A_274 : memref<128x128xf32, #tpu.memory_space<vmem>>) offsets(%dma_start3A_277 : memref<128xi32, #tpu.memory_space<vmem>>) semaphore(%arg7 : memref<!tpu.dma_semaphore, #tpu.memory_space<semaphore_mem>>)
    %dma_start3A_281 = arith.constant 3 : i32
    %dma_start3A_282 = arith.constant 384 : i32
    %dma_start3A_283 = arith.constant 0 : i32
    %dma_start3A_284 = tpu.memref_slice %arg6[%dma_start3A_282, %dma_start3A_283] : memref<512x128xf32, #tpu.memory_space<vmem>> -> memref<128x128xf32, #tpu.memory_space<vmem>>
    %dma_start3A_285 = arith.constant 0 : i32
    %dma_start3A_286 = tpu.memref_slice %arg5[%dma_start3A_281, %dma_start3A_285] : memref<4x128xi32, #tpu.memory_space<vmem>> -> memref<1x128xi32, #tpu.memory_space<vmem>>
    %dma_start3A_287 = tpu.memref_squeeze %dma_start3A_286 : memref<1x128xi32, #tpu.memory_space<vmem>> -> memref<128xi32, #tpu.memory_space<vmem>>
    %dma_start3A_288 = arith.constant 0 : i32
    %dma_start3A_289 = arith.constant 0 : i32
    %dma_start3A_290 = tpu.memref_slice %arg2[%dma_start3A_288, %dma_start3A_289] : memref<100352x128xf32, #tpu.memory_space<hbm>> -> memref<100352x128xf32, #tpu.memory_space<hbm>>
    tpu.enqueue_indirect_dma source(%dma_start3A_290 : memref<100352x128xf32, #tpu.memory_space<hbm>>) target(%dma_start3A_284 : memref<128x128xf32, #tpu.memory_space<vmem>>) offsets(%dma_start3A_287 : memref<128xi32, #tpu.memory_space<vmem>>) semaphore(%arg7 : memref<!tpu.dma_semaphore, #tpu.memory_space<semaphore_mem>>)
    %dma_wait3A_291 = arith.constant 0 : i32
    %dma_wait3A_292 = arith.constant 0 : i32
    %dma_wait3A_293 = arith.constant 0 : i32
    %dma_wait3A_294 = tpu.memref_slice %arg6[%dma_wait3A_292, %dma_wait3A_293] : memref<512x128xf32, #tpu.memory_space<vmem>> -> memref<128x128xf32, #tpu.memory_space<vmem>>
    %dma_wait3A_295 = arith.constant 0 : i32
    %dma_wait3A_296 = tpu.memref_slice %arg5[%dma_wait3A_291, %dma_wait3A_295] : memref<4x128xi32, #tpu.memory_space<vmem>> -> memref<1x128xi32, #tpu.memory_space<vmem>>
    %dma_wait3A_297 = tpu.memref_squeeze %dma_wait3A_296 : memref<1x128xi32, #tpu.memory_space<vmem>> -> memref<128xi32, #tpu.memory_space<vmem>>
    %dma_wait3A_298 = arith.constant 0 : i32
    %dma_wait3A_299 = arith.constant 0 : i32
    %dma_wait3A_300 = tpu.memref_slice %arg2[%dma_wait3A_298, %dma_wait3A_299] : memref<100352x128xf32, #tpu.memory_space<hbm>> -> memref<100352x128xf32, #tpu.memory_space<hbm>>
    tpu.wait_indirect_dma semaphore(%arg7 : memref<!tpu.dma_semaphore, #tpu.memory_space<semaphore_mem>>) src(%dma_wait3A_300 : memref<100352x128xf32, #tpu.memory_space<hbm>>) dst(%dma_wait3A_294 : memref<128x128xf32, #tpu.memory_space<vmem>>)
    %dma_wait3A_301 = arith.constant 1 : i32
    %dma_wait3A_302 = arith.constant 128 : i32
    %dma_wait3A_303 = arith.constant 0 : i32
    %dma_wait3A_304 = tpu.memref_slice %arg6[%dma_wait3A_302, %dma_wait3A_303] : memref<512x128xf32, #tpu.memory_space<vmem>> -> memref<128x128xf32, #tpu.memory_space<vmem>>
    %dma_wait3A_305 = arith.constant 0 : i32
    %dma_wait3A_306 = tpu.memref_slice %arg5[%dma_wait3A_301, %dma_wait3A_305] : memref<4x128xi32, #tpu.memory_space<vmem>> -> memref<1x128xi32, #tpu.memory_space<vmem>>
    %dma_wait3A_307 = tpu.memref_squeeze %dma_wait3A_306 : memref<1x128xi32, #tpu.memory_space<vmem>> -> memref<128xi32, #tpu.memory_space<vmem>>
    %dma_wait3A_308 = arith.constant 0 : i32
    %dma_wait3A_309 = arith.constant 0 : i32
    %dma_wait3A_310 = tpu.memref_slice %arg2[%dma_wait3A_308, %dma_wait3A_309] : memref<100352x128xf32, #tpu.memory_space<hbm>> -> memref<100352x128xf32, #tpu.memory_space<hbm>>
    tpu.wait_indirect_dma semaphore(%arg7 : memref<!tpu.dma_semaphore, #tpu.memory_space<semaphore_mem>>) src(%dma_wait3A_310 : memref<100352x128xf32, #tpu.memory_space<hbm>>) dst(%dma_wait3A_304 : memref<128x128xf32, #tpu.memory_space<vmem>>)
    %dma_wait3A_311 = arith.constant 2 : i32
    %dma_wait3A_312 = arith.constant 256 : i32
    %dma_wait3A_313 = arith.constant 0 : i32
    %dma_wait3A_314 = tpu.memref_slice %arg6[%dma_wait3A_312, %dma_wait3A_313] : memref<512x128xf32, #tpu.memory_space<vmem>> -> memref<128x128xf32, #tpu.memory_space<vmem>>
    %dma_wait3A_315 = arith.constant 0 : i32
    %dma_wait3A_316 = tpu.memref_slice %arg5[%dma_wait3A_311, %dma_wait3A_315] : memref<4x128xi32, #tpu.memory_space<vmem>> -> memref<1x128xi32, #tpu.memory_space<vmem>>
    %dma_wait3A_317 = tpu.memref_squeeze %dma_wait3A_316 : memref<1x128xi32, #tpu.memory_space<vmem>> -> memref<128xi32, #tpu.memory_space<vmem>>
    %dma_wait3A_318 = arith.constant 0 : i32
    %dma_wait3A_319 = arith.constant 0 : i32
    %dma_wait3A_320 = tpu.memref_slice %arg2[%dma_wait3A_318, %dma_wait3A_319] : memref<100352x128xf32, #tpu.memory_space<hbm>> -> memref<100352x128xf32, #tpu.memory_space<hbm>>
    tpu.wait_indirect_dma semaphore(%arg7 : memref<!tpu.dma_semaphore, #tpu.memory_space<semaphore_mem>>) src(%dma_wait3A_320 : memref<100352x128xf32, #tpu.memory_space<hbm>>) dst(%dma_wait3A_314 : memref<128x128xf32, #tpu.memory_space<vmem>>)
    %dma_wait3A_321 = arith.constant 3 : i32
    %dma_wait3A_322 = arith.constant 384 : i32
    %dma_wait3A_323 = arith.constant 0 : i32
    %dma_wait3A_324 = tpu.memref_slice %arg6[%dma_wait3A_322, %dma_wait3A_323] : memref<512x128xf32, #tpu.memory_space<vmem>> -> memref<128x128xf32, #tpu.memory_space<vmem>>
    %dma_wait3A_325 = arith.constant 0 : i32
    %dma_wait3A_326 = tpu.memref_slice %arg5[%dma_wait3A_321, %dma_wait3A_325] : memref<4x128xi32, #tpu.memory_space<vmem>> -> memref<1x128xi32, #tpu.memory_space<vmem>>
    %dma_wait3A_327 = tpu.memref_squeeze %dma_wait3A_326 : memref<1x128xi32, #tpu.memory_space<vmem>> -> memref<128xi32, #tpu.memory_space<vmem>>
    %dma_wait3A_328 = arith.constant 0 : i32
    %dma_wait3A_329 = arith.constant 0 : i32
    %dma_wait3A_330 = tpu.memref_slice %arg2[%dma_wait3A_328, %dma_wait3A_329] : memref<100352x128xf32, #tpu.memory_space<hbm>> -> memref<100352x128xf32, #tpu.memory_space<hbm>>
    tpu.wait_indirect_dma semaphore(%arg7 : memref<!tpu.dma_semaphore, #tpu.memory_space<semaphore_mem>>) src(%dma_wait3A_330 : memref<100352x128xf32, #tpu.memory_space<hbm>>) dst(%dma_wait3A_324 : memref<128x128xf32, #tpu.memory_space<vmem>>)
    %mul3A_331 = arith.constant 2048 : i32
    %mul3A_332 = arith.muli %add3A, %mul3A_331 : i32
    %add3A_333 = arith.constant 1536 : i32
    %add3A_334 = arith.addi %mul3A_332, %add3A_333 : i32
    "tpu.region"() ({
      %run_scoped3A = tpu.sem_alloc : memref<!tpu.dma_semaphore, #tpu.memory_space<semaphore_mem>>
      %dma_start3A_335 = arith.constant 0 : i32
      %dma_start3A_336 = tpu.memref_slice %arg4[%add3A_334, %dma_start3A_335] : memref<65536x128xf32, #tpu.memory_space<hbm>> -> memref<512x128xf32, #tpu.memory_space<hbm>>
      %dma_start3A_337 = arith.constant 0 : i32
      %dma_start3A_338 = tpu.memref_slice %arg4[%add3A_334, %dma_start3A_337] : memref<65536x128xf32, #tpu.memory_space<hbm>> -> memref<512x128xf32, #tpu.memory_space<hbm>>
      tpu.enqueue_dma source(%arg6 : memref<512x128xf32, #tpu.memory_space<vmem>>) target(%dma_start3A_338 : memref<512x128xf32, #tpu.memory_space<hbm>>) target_semaphore(%run_scoped3A : memref<!tpu.dma_semaphore, #tpu.memory_space<semaphore_mem>>)
      %dma_wait3A_339 = arith.constant 0 : i32
      %dma_wait3A_340 = tpu.memref_slice %arg4[%add3A_334, %dma_wait3A_339] : memref<65536x128xf32, #tpu.memory_space<hbm>> -> memref<512x128xf32, #tpu.memory_space<hbm>>
      %dma_wait3A_341 = arith.constant 0 : i32
      %dma_wait3A_342 = tpu.memref_slice %arg4[%add3A_334, %dma_wait3A_341] : memref<65536x128xf32, #tpu.memory_space<hbm>> -> memref<512x128xf32, #tpu.memory_space<hbm>>
      tpu.wait_dma2 semaphore(%run_scoped3A : memref<!tpu.dma_semaphore, #tpu.memory_space<semaphore_mem>>) src(%arg6 : memref<512x128xf32, #tpu.memory_space<vmem>>) dst(%dma_wait3A_342 : memref<512x128xf32, #tpu.memory_space<hbm>>)
      tpu.yield
    }) : () -> ()
    return
  }
}

#map = affine_map<(d0, d1) -> (0, 0)>
#map1 = affine_map<(d0, d1) -> (0)>
module attributes {stable_mosaic.version = 14 : i64} {
  func.func @k(%arg0: i32, %arg1: i32, %arg2: memref<12500x128xi32, #tpu.memory_space<hbm>>, %arg3: memref<2048xi32, #tpu.memory_space<hbm>>, %arg4: memref<2048x128xi32, #tpu.memory_space<hbm>>, %arg5: memref<64xi32, #tpu.memory_space<vmem>>, %arg6: memref<64x128xi32, #tpu.memory_space<vmem>>, %arg7: memref<!tpu.dma_semaphore, #tpu.memory_space<semaphore_mem>>) attributes {dimension_semantics = [#tpu.dimension_semantics<core_parallel>, #tpu.dimension_semantics<subcore_parallel>], iteration_bounds = array<i64: 2, 16>, scalar_prefetch = 0 : i64, scratch_operands = 3 : i64, tpu.core_type = #tpu.core_type<sc_vector_subcore>, window_params = [{transform_indices = #map}, {transform_indices = #map1}, {transform_indices = #map}]} {
    %mul3A = arith.constant 2 : i32
    %mul3A_0 = arith.muli %arg1, %mul3A : i32
    %add3A = arith.addi %mul3A_0, %arg0 : i32
    %mul3A_1 = arith.constant 64 : i32
    %mul3A_2 = arith.muli %add3A, %mul3A_1 : i32
    "tpu.region"() ({
      %run_scoped3A = tpu.sem_alloc : memref<!tpu.dma_semaphore, #tpu.memory_space<semaphore_mem>>
      %dma_start3A_7 = tpu.memref_slice %arg3[%mul3A_2] : memref<2048xi32, #tpu.memory_space<hbm>> -> memref<64xi32, #tpu.memory_space<hbm>>
      %dma_start3A_8 = tpu.memref_slice %arg3[%mul3A_2] : memref<2048xi32, #tpu.memory_space<hbm>> -> memref<64xi32, #tpu.memory_space<hbm>>
      tpu.enqueue_dma source(%dma_start3A_8 : memref<64xi32, #tpu.memory_space<hbm>>) target(%arg5 : memref<64xi32, #tpu.memory_space<vmem>>) target_semaphore(%run_scoped3A : memref<!tpu.dma_semaphore, #tpu.memory_space<semaphore_mem>>)
      %dma_wait3A_9 = tpu.memref_slice %arg3[%mul3A_2] : memref<2048xi32, #tpu.memory_space<hbm>> -> memref<64xi32, #tpu.memory_space<hbm>>
      %dma_wait3A_10 = tpu.memref_slice %arg3[%mul3A_2] : memref<2048xi32, #tpu.memory_space<hbm>> -> memref<64xi32, #tpu.memory_space<hbm>>
      tpu.wait_dma2 semaphore(%run_scoped3A : memref<!tpu.dma_semaphore, #tpu.memory_space<semaphore_mem>>) src(%dma_wait3A_10 : memref<64xi32, #tpu.memory_space<hbm>>) dst(%arg5 : memref<64xi32, #tpu.memory_space<vmem>>)
      tpu.yield
    }) : () -> ()
    %dma_start3A = arith.constant 0 : i32
    %dma_start3A_3 = arith.constant 0 : i32
    %dma_start3A_4 = tpu.memref_slice %arg2[%dma_start3A, %dma_start3A_3] : memref<12500x128xi32, #tpu.memory_space<hbm>> -> memref<12500x128xi32, #tpu.memory_space<hbm>>
    tpu.enqueue_indirect_dma source(%dma_start3A_4 : memref<12500x128xi32, #tpu.memory_space<hbm>>) target(%arg6 : memref<64x128xi32, #tpu.memory_space<vmem>>) offsets(%arg5 : memref<64xi32, #tpu.memory_space<vmem>>) semaphore(%arg7 : memref<!tpu.dma_semaphore, #tpu.memory_space<semaphore_mem>>)
    %dma_wait3A = arith.constant 0 : i32
    %dma_wait3A_5 = arith.constant 0 : i32
    %dma_wait3A_6 = tpu.memref_slice %arg2[%dma_wait3A, %dma_wait3A_5] : memref<12500x128xi32, #tpu.memory_space<hbm>> -> memref<12500x128xi32, #tpu.memory_space<hbm>>
    tpu.wait_indirect_dma semaphore(%arg7 : memref<!tpu.dma_semaphore, #tpu.memory_space<semaphore_mem>>) src(%dma_wait3A_6 : memref<12500x128xi32, #tpu.memory_space<hbm>>) dst(%arg6 : memref<64x128xi32, #tpu.memory_space<vmem>>)
    "tpu.region"() ({
      %run_scoped3A = tpu.sem_alloc : memref<!tpu.dma_semaphore, #tpu.memory_space<semaphore_mem>>
      %dma_start3A_7 = arith.constant 0 : i32
      %dma_start3A_8 = tpu.memref_slice %arg4[%mul3A_2, %dma_start3A_7] : memref<2048x128xi32, #tpu.memory_space<hbm>> -> memref<64x128xi32, #tpu.memory_space<hbm>>
      %dma_start3A_9 = arith.constant 0 : i32
      %dma_start3A_10 = tpu.memref_slice %arg4[%mul3A_2, %dma_start3A_9] : memref<2048x128xi32, #tpu.memory_space<hbm>> -> memref<64x128xi32, #tpu.memory_space<hbm>>
      tpu.enqueue_dma source(%arg6 : memref<64x128xi32, #tpu.memory_space<vmem>>) target(%dma_start3A_10 : memref<64x128xi32, #tpu.memory_space<hbm>>) target_semaphore(%run_scoped3A : memref<!tpu.dma_semaphore, #tpu.memory_space<semaphore_mem>>)
      %dma_wait3A_11 = arith.constant 0 : i32
      %dma_wait3A_12 = tpu.memref_slice %arg4[%mul3A_2, %dma_wait3A_11] : memref<2048x128xi32, #tpu.memory_space<hbm>> -> memref<64x128xi32, #tpu.memory_space<hbm>>
      %dma_wait3A_13 = arith.constant 0 : i32
      %dma_wait3A_14 = tpu.memref_slice %arg4[%mul3A_2, %dma_wait3A_13] : memref<2048x128xi32, #tpu.memory_space<hbm>> -> memref<64x128xi32, #tpu.memory_space<hbm>>
      tpu.wait_dma2 semaphore(%run_scoped3A : memref<!tpu.dma_semaphore, #tpu.memory_space<semaphore_mem>>) src(%arg6 : memref<64x128xi32, #tpu.memory_space<vmem>>) dst(%dma_wait3A_14 : memref<64x128xi32, #tpu.memory_space<hbm>>)
      tpu.yield
    }) : () -> ()
    return
  }
}

#map = affine_map<(d0, d1) -> (0, 0)>
#map1 = affine_map<(d0, d1) -> (0)>
module attributes {stable_mosaic.version = 14 : i64} {
  func.func @k(%arg0: i32, %arg1: i32, %arg2: memref<50000x512xf32, #tpu.memory_space<hbm>>, %arg3: memref<256xi32, #tpu.memory_space<hbm>>, %arg4: memref<256x512xf32, #tpu.memory_space<hbm>>, %arg5: memref<8xi32, #tpu.memory_space<vmem>>, %arg6: memref<8x512xf32, #tpu.memory_space<vmem>>, %arg7: memref<!tpu.dma_semaphore, #tpu.memory_space<semaphore_mem>>) attributes {dimension_semantics = [#tpu.dimension_semantics<core_parallel>, #tpu.dimension_semantics<subcore_parallel>], iteration_bounds = array<i64: 2, 16>, scalar_prefetch = 0 : i64, scratch_operands = 3 : i64, tpu.core_type = #tpu.core_type<sc_vector_subcore>, window_params = [{transform_indices = #map}, {transform_indices = #map1}, {transform_indices = #map}]} {
    %mul3A = arith.constant 2 : i32
    %mul3A_0 = arith.muli %arg1, %mul3A : i32
    %add3A = arith.addi %mul3A_0, %arg0 : i32
    %mul3A_1 = arith.constant 8 : i32
    %mul3A_2 = arith.muli %add3A, %mul3A_1 : i32
    "tpu.region"() ({
      %run_scoped3A = tpu.sem_alloc : memref<!tpu.dma_semaphore, #tpu.memory_space<semaphore_mem>>
      %dma_start3A_7 = tpu.memref_slice %arg3[%mul3A_2] : memref<256xi32, #tpu.memory_space<hbm>> -> memref<8xi32, #tpu.memory_space<hbm>>
      %dma_start3A_8 = tpu.memref_slice %arg3[%mul3A_2] : memref<256xi32, #tpu.memory_space<hbm>> -> memref<8xi32, #tpu.memory_space<hbm>>
      tpu.enqueue_dma source(%dma_start3A_8 : memref<8xi32, #tpu.memory_space<hbm>>) target(%arg5 : memref<8xi32, #tpu.memory_space<vmem>>) target_semaphore(%run_scoped3A : memref<!tpu.dma_semaphore, #tpu.memory_space<semaphore_mem>>)
      %dma_wait3A_9 = tpu.memref_slice %arg3[%mul3A_2] : memref<256xi32, #tpu.memory_space<hbm>> -> memref<8xi32, #tpu.memory_space<hbm>>
      %dma_wait3A_10 = tpu.memref_slice %arg3[%mul3A_2] : memref<256xi32, #tpu.memory_space<hbm>> -> memref<8xi32, #tpu.memory_space<hbm>>
      tpu.wait_dma2 semaphore(%run_scoped3A : memref<!tpu.dma_semaphore, #tpu.memory_space<semaphore_mem>>) src(%dma_wait3A_10 : memref<8xi32, #tpu.memory_space<hbm>>) dst(%arg5 : memref<8xi32, #tpu.memory_space<vmem>>)
      tpu.yield
    }) : () -> ()
    %dma_start3A = arith.constant 0 : i32
    %dma_start3A_3 = arith.constant 0 : i32
    %dma_start3A_4 = tpu.memref_slice %arg2[%dma_start3A, %dma_start3A_3] : memref<50000x512xf32, #tpu.memory_space<hbm>> -> memref<50000x512xf32, #tpu.memory_space<hbm>>
    tpu.enqueue_indirect_dma source(%dma_start3A_4 : memref<50000x512xf32, #tpu.memory_space<hbm>>) target(%arg6 : memref<8x512xf32, #tpu.memory_space<vmem>>) offsets(%arg5 : memref<8xi32, #tpu.memory_space<vmem>>) semaphore(%arg7 : memref<!tpu.dma_semaphore, #tpu.memory_space<semaphore_mem>>)
    %dma_wait3A = arith.constant 0 : i32
    %dma_wait3A_5 = arith.constant 0 : i32
    %dma_wait3A_6 = tpu.memref_slice %arg2[%dma_wait3A, %dma_wait3A_5] : memref<50000x512xf32, #tpu.memory_space<hbm>> -> memref<50000x512xf32, #tpu.memory_space<hbm>>
    tpu.wait_indirect_dma semaphore(%arg7 : memref<!tpu.dma_semaphore, #tpu.memory_space<semaphore_mem>>) src(%dma_wait3A_6 : memref<50000x512xf32, #tpu.memory_space<hbm>>) dst(%arg6 : memref<8x512xf32, #tpu.memory_space<vmem>>)
    "tpu.region"() ({
      %run_scoped3A = tpu.sem_alloc : memref<!tpu.dma_semaphore, #tpu.memory_space<semaphore_mem>>
      %dma_start3A_7 = arith.constant 0 : i32
      %dma_start3A_8 = tpu.memref_slice %arg4[%mul3A_2, %dma_start3A_7] : memref<256x512xf32, #tpu.memory_space<hbm>> -> memref<8x512xf32, #tpu.memory_space<hbm>>
      %dma_start3A_9 = arith.constant 0 : i32
      %dma_start3A_10 = tpu.memref_slice %arg4[%mul3A_2, %dma_start3A_9] : memref<256x512xf32, #tpu.memory_space<hbm>> -> memref<8x512xf32, #tpu.memory_space<hbm>>
      tpu.enqueue_dma source(%arg6 : memref<8x512xf32, #tpu.memory_space<vmem>>) target(%dma_start3A_10 : memref<8x512xf32, #tpu.memory_space<hbm>>) target_semaphore(%run_scoped3A : memref<!tpu.dma_semaphore, #tpu.memory_space<semaphore_mem>>)
      %dma_wait3A_11 = arith.constant 0 : i32
      %dma_wait3A_12 = tpu.memref_slice %arg4[%mul3A_2, %dma_wait3A_11] : memref<256x512xf32, #tpu.memory_space<hbm>> -> memref<8x512xf32, #tpu.memory_space<hbm>>
      %dma_wait3A_13 = arith.constant 0 : i32
      %dma_wait3A_14 = tpu.memref_slice %arg4[%mul3A_2, %dma_wait3A_13] : memref<256x512xf32, #tpu.memory_space<hbm>> -> memref<8x512xf32, #tpu.memory_space<hbm>>
      tpu.wait_dma2 semaphore(%run_scoped3A : memref<!tpu.dma_semaphore, #tpu.memory_space<semaphore_mem>>) src(%arg6 : memref<8x512xf32, #tpu.memory_space<vmem>>) dst(%dma_wait3A_14 : memref<8x512xf32, #tpu.memory_space<hbm>>)
      tpu.yield
    }) : () -> ()
    return
  }
}

module attributes {stable_mosaic.version = 14 : i64} {
  func.func @_k1_logits_body(%arg0: i32, %arg1: memref<256x512xf32, #tpu.memory_space<vmem>>, %arg2: memref<512x512xf32, #tpu.memory_space<vmem>>, %arg3: memref<256x512xf32, #tpu.memory_space<vmem>>) attributes {dimension_semantics = [#tpu.dimension_semantics<arbitrary>], iteration_bounds = array<i64: 98>, scalar_prefetch = 0 : i64, scratch_operands = 0 : i64, tpu.core_type = #tpu.core_type<tc>, window_params = [{pipeline_mode = #tpu.pipeline_mode<synchronous>, transform_indices = @transform_0, window_bounds = array<i64: 256, 512>}, {transform_indices = @transform_1, window_bounds = array<i64: 512, 512>}, {transform_indices = @transform_2, window_bounds = array<i64: 256, 512>}]} {
    %get3A = arith.constant 0 : index
    %get3A_0 = arith.constant 0 : index
    %get3A_1 = vector.load %arg1[%get3A, %get3A_0] : memref<256x512xf32, #tpu.memory_space<vmem>>, vector<256x512xf32>
    %get3A_2 = arith.constant 0 : index
    %get3A_3 = arith.constant 0 : index
    %get3A_4 = vector.load %arg2[%get3A_2, %get3A_3] : memref<512x512xf32, #tpu.memory_space<vmem>>, vector<512x512xf32>
    %dot_general3A = arith.constant dense<0.000000e+00> : vector<256x512xf32>
    %dot_general3A_5 = tpu.matmul %get3A_1, %get3A_4, %dot_general3A {dimension_numbers = #tpu.dot_dimension_numbers<[1], [0], [0], [1], [0, 0, 1, 1], [], []>, transpose_lhs_hint = false} : vector<256x512xf32>, vector<512x512xf32>, vector<256x512xf32> -> vector<256x512xf32>
    %mul3A = arith.constant 512 : i32
    %mul3A_6 = arith.muli %arg0, %mul3A : i32
    %iota3A = tpu.iota {dimensions = array<i32: 1>} : vector<256x512xi32>
    %add3A = vector.broadcast %mul3A_6 : i32 to vector<256x512xi32>
    %add3A_7 = arith.addi %add3A, %iota3A : vector<256x512xi32>
    %lt3A = arith.constant 50000 : i32
    %lt3A_8 = vector.broadcast %lt3A : i32 to vector<256x512xi32>
    %lt3A_9 = arith.cmpi slt, %add3A_7, %lt3A_8 : vector<256x512xi32>
    %jit3A = arith.constant -3.000000e+38 : f32
    %broadcast_in_dim3A = vector.broadcast %jit3A : f32 to vector<256x512xf32>
    %select_n3A = arith.select %lt3A_9, %dot_general3A_5, %broadcast_in_dim3A : vector<256x512xi1>, vector<256x512xf32>
    %swap3A = arith.constant 0 : index
    %swap3A_10 = arith.constant 0 : index
    %swap3A_11 = vector.load %arg3[%swap3A, %swap3A_10] : memref<256x512xf32, #tpu.memory_space<vmem>>, vector<256x512xf32>
    tpu.vector_store %arg3[%swap3A, %swap3A_10], %select_n3A {strides = array<i32>} : memref<256x512xf32, #tpu.memory_space<vmem>>, vector<256x512xf32>,
    return
  }
  func.func @transform_0(%arg0: i32) -> (i32, i32) {
    %c0_i32 = arith.constant 0 : i32
    %c0_i32_0 = arith.constant 0 : i32
    %c0_i32_1 = arith.constant 0 : i32
    return %c0_i32, %c0_i32_0 : i32, i32
  }
  func.func @transform_1(%arg0: i32) -> (i32, i32) {
    %c0_i32 = arith.constant 0 : i32
    %c0_i32_0 = arith.constant 0 : i32
    return %c0_i32, %arg0 : i32, i32
  }
  func.func @transform_2(%arg0: i32) -> (i32, i32) {
    %c0_i32 = arith.constant 0 : i32
    %c0_i32_0 = arith.constant 0 : i32
    return %c0_i32, %arg0 : i32, i32
  }
}

module attributes {stable_mosaic.version = 14 : i64} {
  func.func @_k2_body(%arg0: i32, %arg1: memref<32x50176xf32, #tpu.memory_space<vmem>>, %arg2: memref<32x50000xf32, #tpu.memory_space<vmem>>, %arg3: memref<32x8xi32, #tpu.memory_space<vmem>>) attributes {dimension_semantics = [#tpu.dimension_semantics<arbitrary>], iteration_bounds = array<i64: 8>, scalar_prefetch = 0 : i64, scratch_operands = 0 : i64, tpu.core_type = #tpu.core_type<tc>, window_params = [{transform_indices = @transform_0, window_bounds = array<i64: 32, 50176>}, {transform_indices = @transform_1, window_bounds = array<i64: 32, 50000>}, {transform_indices = @transform_2, window_bounds = array<i64: 32, 8>}]} {
    %get3A = arith.constant 0 : index
    %get3A_0 = arith.constant 0 : index
    %get3A_1 = vector.load %arg1[%get3A, %get3A_0] : memref<32x50176xf32, #tpu.memory_space<vmem>>, vector<32x50176xf32>
    %reshape3A = vector.shape_cast %get3A_1 : vector<32x50176xf32> to vector<32x392x128xf32>
    %reduce_max3A = arith.constant dense<0xFF800000> : vector<32x392xf32>
    %reduce_max3A_2 = vector.multi_reduction <maximumf>, %reshape3A, %reduce_max3A [2] : vector<32x392x128xf32> to vector<32x392xf32>
    %reduce_max3A_3 = arith.constant dense<0xFF800000> : vector<32xf32>
    %reduce_max3A_4 = vector.multi_reduction <maximumf>, %reduce_max3A_2, %reduce_max3A_3 [1] : vector<32x392xf32> to vector<32xf32>
    %broadcast_in_dim3A = vector.shape_cast %reduce_max3A_4 : vector<32xf32> to vector<32x1xf32>
    %sub3A = vector.broadcast %broadcast_in_dim3A : vector<32x1xf32> to vector<32x50176xf32>
    %sub3A_5 = arith.subf %get3A_1, %sub3A : vector<32x50176xf32>
    %exp3A = math.exp %sub3A_5 : vector<32x50176xf32>
    %reduce_sum3A = arith.constant dense<0.000000e+00> : vector<32xf32>
    %reduce_sum3A_6 = vector.multi_reduction <add>, %exp3A, %reduce_sum3A [1] : vector<32x50176xf32> to vector<32xf32>
    %broadcast_in_dim3A_7 = vector.shape_cast %reduce_sum3A_6 : vector<32xf32> to vector<32x1xf32>
    %sub3A_8 = vector.broadcast %broadcast_in_dim3A : vector<32x1xf32> to vector<32x50176xf32>
    %sub3A_9 = arith.subf %get3A_1, %sub3A_8 : vector<32x50176xf32>
    %log3A = math.log %broadcast_in_dim3A_7 : vector<32x1xf32>
    %sub3A_10 = vector.broadcast %log3A : vector<32x1xf32> to vector<32x50176xf32>
    %sub3A_11 = arith.subf %sub3A_9, %sub3A_10 : vector<32x50176xf32>
    %slice3A = vector.extract_strided_slice %sub3A_11 {offsets = [0, 0], sizes = [32, 50000], strides = [1, 1]} : vector<32x50176xf32> to vector<32x50000xf32>
    %swap3A = arith.constant 0 : index
    %swap3A_12 = arith.constant 0 : index
    %swap3A_13 = vector.load %arg2[%swap3A, %swap3A_12] : memref<32x50000xf32, #tpu.memory_space<vmem>>, vector<32x50000xf32>
    tpu.vector_store %arg2[%swap3A, %swap3A_12], %slice3A {strides = array<i32>} : memref<32x50000xf32, #tpu.memory_space<vmem>>, vector<32x50000xf32>,
    %iota3A = tpu.iota {dimensions = array<i32: 1>} : vector<32x392xi32>
    %reduce_max3A_14 = arith.constant dense<0xFF800000> : vector<32xf32>
    %reduce_max3A_15 = vector.multi_reduction <maximumf>, %reduce_max3A_2, %reduce_max3A_14 [1] : vector<32x392xf32> to vector<32xf32>
    %broadcast_in_dim3A_16 = vector.shape_cast %reduce_max3A_15 : vector<32xf32> to vector<32x1xf32>
    %eq3A = vector.broadcast %broadcast_in_dim3A_16 : vector<32x1xf32> to vector<32x392xf32>
    %eq3A_17 = arith.cmpf oeq, %reduce_max3A_2, %eq3A : vector<32x392xf32>
    %jit3A = arith.constant 1073741824 : i32
    %broadcast_in_dim3A_18 = vector.broadcast %jit3A : i32 to vector<32x392xi32>
    %select_n3A = arith.select %eq3A_17, %iota3A, %broadcast_in_dim3A_18 : vector<32x392xi1>, vector<32x392xi32>
    %reduce_min3A = arith.constant dense<2147483647> : vector<32xi32>
    %reduce_min3A_19 = vector.multi_reduction <minsi>, %select_n3A, %reduce_min3A [1] : vector<32x392xi32> to vector<32xi32>
    %broadcast_in_dim3A_20 = vector.shape_cast %reduce_min3A_19 : vector<32xi32> to vector<32x1xi32>
    %eq3A_21 = vector.broadcast %broadcast_in_dim3A_20 : vector<32x1xi32> to vector<32x392xi32>
    %eq3A_22 = arith.cmpi eq, %iota3A, %eq3A_21 : vector<32x392xi32>
    %jit3A_23 = arith.constant -3.000000e+38 : f32
    %broadcast_in_dim3A_24 = vector.broadcast %jit3A_23 : f32 to vector<32x392xf32>
    %select_n3A_25 = arith.select %eq3A_22, %broadcast_in_dim3A_24, %reduce_max3A_2 : vector<32x392xi1>, vector<32x392xf32>
    %reduce_max3A_26 = arith.constant dense<0xFF800000> : vector<32xf32>
    %reduce_max3A_27 = vector.multi_reduction <maximumf>, %select_n3A_25, %reduce_max3A_26 [1] : vector<32x392xf32> to vector<32xf32>
    %broadcast_in_dim3A_28 = vector.shape_cast %reduce_max3A_27 : vector<32xf32> to vector<32x1xf32>
    %eq3A_29 = vector.broadcast %broadcast_in_dim3A_28 : vector<32x1xf32> to vector<32x392xf32>
    %eq3A_30 = arith.cmpf oeq, %select_n3A_25, %eq3A_29 : vector<32x392xf32>
    %jit3A_31 = arith.constant 1073741824 : i32
    %broadcast_in_dim3A_32 = vector.broadcast %jit3A_31 : i32 to vector<32x392xi32>
    %select_n3A_33 = arith.select %eq3A_30, %iota3A, %broadcast_in_dim3A_32 : vector<32x392xi1>, vector<32x392xi32>
    %reduce_min3A_34 = arith.constant dense<2147483647> : vector<32xi32>
    %reduce_min3A_35 = vector.multi_reduction <minsi>, %select_n3A_33, %reduce_min3A_34 [1] : vector<32x392xi32> to vector<32xi32>
    %broadcast_in_dim3A_36 = vector.shape_cast %reduce_min3A_35 : vector<32xi32> to vector<32x1xi32>
    %eq3A_37 = vector.broadcast %broadcast_in_dim3A_36 : vector<32x1xi32> to vector<32x392xi32>
    %eq3A_38 = arith.cmpi eq, %iota3A, %eq3A_37 : vector<32x392xi32>
    %jit3A_39 = arith.constant -3.000000e+38 : f32
    %broadcast_in_dim3A_40 = vector.broadcast %jit3A_39 : f32 to vector<32x392xf32>
    %select_n3A_41 = arith.select %eq3A_38, %broadcast_in_dim3A_40, %select_n3A_25 : vector<32x392xi1>, vector<32x392xf32>
    %reduce_max3A_42 = arith.constant dense<0xFF800000> : vector<32xf32>
    %reduce_max3A_43 = vector.multi_reduction <maximumf>, %select_n3A_41, %reduce_max3A_42 [1] : vector<32x392xf32> to vector<32xf32>
    %broadcast_in_dim3A_44 = vector.shape_cast %reduce_max3A_43 : vector<32xf32> to vector<32x1xf32>
    %eq3A_45 = vector.broadcast %broadcast_in_dim3A_44 : vector<32x1xf32> to vector<32x392xf32>
    %eq3A_46 = arith.cmpf oeq, %select_n3A_41, %eq3A_45 : vector<32x392xf32>
    %jit3A_47 = arith.constant 1073741824 : i32
    %broadcast_in_dim3A_48 = vector.broadcast %jit3A_47 : i32 to vector<32x392xi32>
    %select_n3A_49 = arith.select %eq3A_46, %iota3A, %broadcast_in_dim3A_48 : vector<32x392xi1>, vector<32x392xi32>
    %reduce_min3A_50 = arith.constant dense<2147483647> : vector<32xi32>
    %reduce_min3A_51 = vector.multi_reduction <minsi>, %select_n3A_49, %reduce_min3A_50 [1] : vector<32x392xi32> to vector<32xi32>
    %broadcast_in_dim3A_52 = vector.shape_cast %reduce_min3A_51 : vector<32xi32> to vector<32x1xi32>
    %eq3A_53 = vector.broadcast %broadcast_in_dim3A_52 : vector<32x1xi32> to vector<32x392xi32>
    %eq3A_54 = arith.cmpi eq, %iota3A, %eq3A_53 : vector<32x392xi32>
    %jit3A_55 = arith.constant -3.000000e+38 : f32
    %broadcast_in_dim3A_56 = vector.broadcast %jit3A_55 : f32 to vector<32x392xf32>
    %select_n3A_57 = arith.select %eq3A_54, %broadcast_in_dim3A_56, %select_n3A_41 : vector<32x392xi1>, vector<32x392xf32>
    %reduce_max3A_58 = arith.constant dense<0xFF800000> : vector<32xf32>
    %reduce_max3A_59 = vector.multi_reduction <maximumf>, %select_n3A_57, %reduce_max3A_58 [1] : vector<32x392xf32> to vector<32xf32>
    %broadcast_in_dim3A_60 = vector.shape_cast %reduce_max3A_59 : vector<32xf32> to vector<32x1xf32>
    %eq3A_61 = vector.broadcast %broadcast_in_dim3A_60 : vector<32x1xf32> to vector<32x392xf32>
    %eq3A_62 = arith.cmpf oeq, %select_n3A_57, %eq3A_61 : vector<32x392xf32>
    %jit3A_63 = arith.constant 1073741824 : i32
    %broadcast_in_dim3A_64 = vector.broadcast %jit3A_63 : i32 to vector<32x392xi32>
    %select_n3A_65 = arith.select %eq3A_62, %iota3A, %broadcast_in_dim3A_64 : vector<32x392xi1>, vector<32x392xi32>
    %reduce_min3A_66 = arith.constant dense<2147483647> : vector<32xi32>
    %reduce_min3A_67 = vector.multi_reduction <minsi>, %select_n3A_65, %reduce_min3A_66 [1] : vector<32x392xi32> to vector<32xi32>
    %broadcast_in_dim3A_68 = vector.shape_cast %reduce_min3A_67 : vector<32xi32> to vector<32x1xi32>
    %eq3A_69 = vector.broadcast %broadcast_in_dim3A_68 : vector<32x1xi32> to vector<32x392xi32>
    %eq3A_70 = arith.cmpi eq, %iota3A, %eq3A_69 : vector<32x392xi32>
    %jit3A_71 = arith.constant -3.000000e+38 : f32
    %broadcast_in_dim3A_72 = vector.broadcast %jit3A_71 : f32 to vector<32x392xf32>
    %select_n3A_73 = arith.select %eq3A_70, %broadcast_in_dim3A_72, %select_n3A_57 : vector<32x392xi1>, vector<32x392xf32>
    %reduce_max3A_74 = arith.constant dense<0xFF800000> : vector<32xf32>
    %reduce_max3A_75 = vector.multi_reduction <maximumf>, %select_n3A_73, %reduce_max3A_74 [1] : vector<32x392xf32> to vector<32xf32>
    %broadcast_in_dim3A_76 = vector.shape_cast %reduce_max3A_75 : vector<32xf32> to vector<32x1xf32>
    %eq3A_77 = vector.broadcast %broadcast_in_dim3A_76 : vector<32x1xf32> to vector<32x392xf32>
    %eq3A_78 = arith.cmpf oeq, %select_n3A_73, %eq3A_77 : vector<32x392xf32>
    %jit3A_79 = arith.constant 1073741824 : i32
    %broadcast_in_dim3A_80 = vector.broadcast %jit3A_79 : i32 to vector<32x392xi32>
    %select_n3A_81 = arith.select %eq3A_78, %iota3A, %broadcast_in_dim3A_80 : vector<32x392xi1>, vector<32x392xi32>
    %reduce_min3A_82 = arith.constant dense<2147483647> : vector<32xi32>
    %reduce_min3A_83 = vector.multi_reduction <minsi>, %select_n3A_81, %reduce_min3A_82 [1] : vector<32x392xi32> to vector<32xi32>
    %broadcast_in_dim3A_84 = vector.shape_cast %reduce_min3A_83 : vector<32xi32> to vector<32x1xi32>
    %eq3A_85 = vector.broadcast %broadcast_in_dim3A_84 : vector<32x1xi32> to vector<32x392xi32>
    %eq3A_86 = arith.cmpi eq, %iota3A, %eq3A_85 : vector<32x392xi32>
    %jit3A_87 = arith.constant -3.000000e+38 : f32
    %broadcast_in_dim3A_88 = vector.broadcast %jit3A_87 : f32 to vector<32x392xf32>
    %select_n3A_89 = arith.select %eq3A_86, %broadcast_in_dim3A_88, %select_n3A_73 : vector<32x392xi1>, vector<32x392xf32>
    %reduce_max3A_90 = arith.constant dense<0xFF800000> : vector<32xf32>
    %reduce_max3A_91 = vector.multi_reduction <maximumf>, %select_n3A_89, %reduce_max3A_90 [1] : vector<32x392xf32> to vector<32xf32>
    %broadcast_in_dim3A_92 = vector.shape_cast %reduce_max3A_91 : vector<32xf32> to vector<32x1xf32>
    %eq3A_93 = vector.broadcast %broadcast_in_dim3A_92 : vector<32x1xf32> to vector<32x392xf32>
    %eq3A_94 = arith.cmpf oeq, %select_n3A_89, %eq3A_93 : vector<32x392xf32>
    %jit3A_95 = arith.constant 1073741824 : i32
    %broadcast_in_dim3A_96 = vector.broadcast %jit3A_95 : i32 to vector<32x392xi32>
    %select_n3A_97 = arith.select %eq3A_94, %iota3A, %broadcast_in_dim3A_96 : vector<32x392xi1>, vector<32x392xi32>
    %reduce_min3A_98 = arith.constant dense<2147483647> : vector<32xi32>
    %reduce_min3A_99 = vector.multi_reduction <minsi>, %select_n3A_97, %reduce_min3A_98 [1] : vector<32x392xi32> to vector<32xi32>
    %broadcast_in_dim3A_100 = vector.shape_cast %reduce_min3A_99 : vector<32xi32> to vector<32x1xi32>
    %eq3A_101 = vector.broadcast %broadcast_in_dim3A_100 : vector<32x1xi32> to vector<32x392xi32>
    %eq3A_102 = arith.cmpi eq, %iota3A, %eq3A_101 : vector<32x392xi32>
    %jit3A_103 = arith.constant -3.000000e+38 : f32
    %broadcast_in_dim3A_104 = vector.broadcast %jit3A_103 : f32 to vector<32x392xf32>
    %select_n3A_105 = arith.select %eq3A_102, %broadcast_in_dim3A_104, %select_n3A_89 : vector<32x392xi1>, vector<32x392xf32>
    %reduce_max3A_106 = arith.constant dense<0xFF800000> : vector<32xf32>
    %reduce_max3A_107 = vector.multi_reduction <maximumf>, %select_n3A_105, %reduce_max3A_106 [1] : vector<32x392xf32> to vector<32xf32>
    %broadcast_in_dim3A_108 = vector.shape_cast %reduce_max3A_107 : vector<32xf32> to vector<32x1xf32>
    %eq3A_109 = vector.broadcast %broadcast_in_dim3A_108 : vector<32x1xf32> to vector<32x392xf32>
    %eq3A_110 = arith.cmpf oeq, %select_n3A_105, %eq3A_109 : vector<32x392xf32>
    %jit3A_111 = arith.constant 1073741824 : i32
    %broadcast_in_dim3A_112 = vector.broadcast %jit3A_111 : i32 to vector<32x392xi32>
    %select_n3A_113 = arith.select %eq3A_110, %iota3A, %broadcast_in_dim3A_112 : vector<32x392xi1>, vector<32x392xi32>
    %reduce_min3A_114 = arith.constant dense<2147483647> : vector<32xi32>
    %reduce_min3A_115 = vector.multi_reduction <minsi>, %select_n3A_113, %reduce_min3A_114 [1] : vector<32x392xi32> to vector<32xi32>
    %broadcast_in_dim3A_116 = vector.shape_cast %reduce_min3A_115 : vector<32xi32> to vector<32x1xi32>
    %eq3A_117 = vector.broadcast %broadcast_in_dim3A_116 : vector<32x1xi32> to vector<32x392xi32>
    %eq3A_118 = arith.cmpi eq, %iota3A, %eq3A_117 : vector<32x392xi32>
    %jit3A_119 = arith.constant -3.000000e+38 : f32
    %broadcast_in_dim3A_120 = vector.broadcast %jit3A_119 : f32 to vector<32x392xf32>
    %select_n3A_121 = arith.select %eq3A_118, %broadcast_in_dim3A_120, %select_n3A_105 : vector<32x392xi1>, vector<32x392xf32>
    %reduce_max3A_122 = arith.constant dense<0xFF800000> : vector<32xf32>
    %reduce_max3A_123 = vector.multi_reduction <maximumf>, %select_n3A_121, %reduce_max3A_122 [1] : vector<32x392xf32> to vector<32xf32>
    %broadcast_in_dim3A_124 = vector.shape_cast %reduce_max3A_123 : vector<32xf32> to vector<32x1xf32>
    %eq3A_125 = vector.broadcast %broadcast_in_dim3A_124 : vector<32x1xf32> to vector<32x392xf32>
    %eq3A_126 = arith.cmpf oeq, %select_n3A_121, %eq3A_125 : vector<32x392xf32>
    %jit3A_127 = arith.constant 1073741824 : i32
    %broadcast_in_dim3A_128 = vector.broadcast %jit3A_127 : i32 to vector<32x392xi32>
    %select_n3A_129 = arith.select %eq3A_126, %iota3A, %broadcast_in_dim3A_128 : vector<32x392xi1>, vector<32x392xi32>
    %reduce_min3A_130 = arith.constant dense<2147483647> : vector<32xi32>
    %reduce_min3A_131 = vector.multi_reduction <minsi>, %select_n3A_129, %reduce_min3A_130 [1] : vector<32x392xi32> to vector<32xi32>
    %broadcast_in_dim3A_132 = vector.shape_cast %reduce_min3A_131 : vector<32xi32> to vector<32x1xi32>
    %concatenate3A = tpu.concatenate %broadcast_in_dim3A_20, %broadcast_in_dim3A_36, %broadcast_in_dim3A_52, %broadcast_in_dim3A_68, %broadcast_in_dim3A_84, %broadcast_in_dim3A_100, %broadcast_in_dim3A_116, %broadcast_in_dim3A_132 in 1 : vector<32x1xi32>, vector<32x1xi32>, vector<32x1xi32>, vector<32x1xi32>, vector<32x1xi32>, vector<32x1xi32>, vector<32x1xi32>, vector<32x1xi32> -> vector<32x8xi32>
    %broadcast_in_dim3A_133 = vector.shape_cast %concatenate3A : vector<32x8xi32> to vector<32x8x1xi32>
    %broadcast_in_dim3A_134 = vector.shape_cast %iota3A : vector<32x392xi32> to vector<32x1x392xi32>
    %eq3A_135 = vector.broadcast %broadcast_in_dim3A_133 : vector<32x8x1xi32> to vector<32x8x392xi32>
    %eq3A_136 = vector.broadcast %broadcast_in_dim3A_134 : vector<32x1x392xi32> to vector<32x8x392xi32>
    %eq3A_137 = arith.cmpi eq, %eq3A_135, %eq3A_136 : vector<32x8x392xi32>
    %convert_element_type3A = arith.extui %eq3A_137 : vector<32x8x392xi1> to vector<32x8x392xi32>
    %convert_element_type3A_138 = arith.sitofp %convert_element_type3A : vector<32x8x392xi32> to vector<32x8x392xf32>
    %dot_general3A = arith.constant dense<0.000000e+00> : vector<32x8x128xf32>
    %dot_general3A_139 = tpu.matmul %convert_element_type3A_138, %reshape3A, %dot_general3A {dimension_numbers = #tpu.dot_dimension_numbers<[2], [1], [1], [2], [0, 0, 0, 1, 1, 2], [0], [0]>, precision = #tpu.contract_precision<fp32>, transpose_lhs_hint = false} : vector<32x8x392xf32>, vector<32x392x128xf32>, vector<32x8x128xf32> -> vector<32x8x128xf32>
    %reshape3A_140 = vector.shape_cast %dot_general3A_139 : vector<32x8x128xf32> to vector<32x1024xf32>
    %iota3A_141 = tpu.iota {dimensions = array<i32: 2>} : vector<32x8x128xi32>
    %broadcast_in_dim3A_142 = vector.shape_cast %concatenate3A : vector<32x8xi32> to vector<32x8x1xi32>
    %mul3A = arith.constant 128 : i32
    %mul3A_143 = vector.broadcast %mul3A : i32 to vector<32x8x1xi32>
    %mul3A_144 = arith.muli %broadcast_in_dim3A_142, %mul3A_143 : vector<32x8x1xi32>
    %add3A = vector.broadcast %mul3A_144 : vector<32x8x1xi32> to vector<32x8x128xi32>
    %add3A_145 = arith.addi %add3A, %iota3A_141 : vector<32x8x128xi32>
    %reshape3A_146 = vector.shape_cast %add3A_145 : vector<32x8x128xi32> to vector<32x1024xi32>
    %reduce_max3A_147 = arith.constant dense<0xFF800000> : vector<32xf32>
    %reduce_max3A_148 = vector.multi_reduction <maximumf>, %reshape3A_140, %reduce_max3A_147 [1] : vector<32x1024xf32> to vector<32xf32>
    %broadcast_in_dim3A_149 = vector.shape_cast %reduce_max3A_148 : vector<32xf32> to vector<32x1xf32>
    %eq3A_150 = vector.broadcast %broadcast_in_dim3A_149 : vector<32x1xf32> to vector<32x1024xf32>
    %eq3A_151 = arith.cmpf oeq, %reshape3A_140, %eq3A_150 : vector<32x1024xf32>
    %jit3A_152 = arith.constant 1073741824 : i32
    %broadcast_in_dim3A_153 = vector.broadcast %jit3A_152 : i32 to vector<32x1024xi32>
    %select_n3A_154 = arith.select %eq3A_151, %reshape3A_146, %broadcast_in_dim3A_153 : vector<32x1024xi1>, vector<32x1024xi32>
    %reduce_min3A_155 = arith.constant dense<2147483647> : vector<32xi32>
    %reduce_min3A_156 = vector.multi_reduction <minsi>, %select_n3A_154, %reduce_min3A_155 [1] : vector<32x1024xi32> to vector<32xi32>
    %broadcast_in_dim3A_157 = vector.shape_cast %reduce_min3A_156 : vector<32xi32> to vector<32x1xi32>
    %eq3A_158 = vector.broadcast %broadcast_in_dim3A_157 : vector<32x1xi32> to vector<32x1024xi32>
    %eq3A_159 = arith.cmpi eq, %reshape3A_146, %eq3A_158 : vector<32x1024xi32>
    %jit3A_160 = arith.constant -3.000000e+38 : f32
    %broadcast_in_dim3A_161 = vector.broadcast %jit3A_160 : f32 to vector<32x1024xf32>
    %select_n3A_162 = arith.select %eq3A_159, %broadcast_in_dim3A_161, %reshape3A_140 : vector<32x1024xi1>, vector<32x1024xf32>
    %reduce_max3A_163 = arith.constant dense<0xFF800000> : vector<32xf32>
    %reduce_max3A_164 = vector.multi_reduction <maximumf>, %select_n3A_162, %reduce_max3A_163 [1] : vector<32x1024xf32> to vector<32xf32>
    %broadcast_in_dim3A_165 = vector.shape_cast %reduce_max3A_164 : vector<32xf32> to vector<32x1xf32>
    %eq3A_166 = vector.broadcast %broadcast_in_dim3A_165 : vector<32x1xf32> to vector<32x1024xf32>
    %eq3A_167 = arith.cmpf oeq, %select_n3A_162, %eq3A_166 : vector<32x1024xf32>
    %jit3A_168 = arith.constant 1073741824 : i32
    %broadcast_in_dim3A_169 = vector.broadcast %jit3A_168 : i32 to vector<32x1024xi32>
    %select_n3A_170 = arith.select %eq3A_167, %reshape3A_146, %broadcast_in_dim3A_169 : vector<32x1024xi1>, vector<32x1024xi32>
    %reduce_min3A_171 = arith.constant dense<2147483647> : vector<32xi32>
    %reduce_min3A_172 = vector.multi_reduction <minsi>, %select_n3A_170, %reduce_min3A_171 [1] : vector<32x1024xi32> to vector<32xi32>
    %broadcast_in_dim3A_173 = vector.shape_cast %reduce_min3A_172 : vector<32xi32> to vector<32x1xi32>
    %eq3A_174 = vector.broadcast %broadcast_in_dim3A_173 : vector<32x1xi32> to vector<32x1024xi32>
    %eq3A_175 = arith.cmpi eq, %reshape3A_146, %eq3A_174 : vector<32x1024xi32>
    %jit3A_176 = arith.constant -3.000000e+38 : f32
    %broadcast_in_dim3A_177 = vector.broadcast %jit3A_176 : f32 to vector<32x1024xf32>
    %select_n3A_178 = arith.select %eq3A_175, %broadcast_in_dim3A_177, %select_n3A_162 : vector<32x1024xi1>, vector<32x1024xf32>
    %reduce_max3A_179 = arith.constant dense<0xFF800000> : vector<32xf32>
    %reduce_max3A_180 = vector.multi_reduction <maximumf>, %select_n3A_178, %reduce_max3A_179 [1] : vector<32x1024xf32> to vector<32xf32>
    %broadcast_in_dim3A_181 = vector.shape_cast %reduce_max3A_180 : vector<32xf32> to vector<32x1xf32>
    %eq3A_182 = vector.broadcast %broadcast_in_dim3A_181 : vector<32x1xf32> to vector<32x1024xf32>
    %eq3A_183 = arith.cmpf oeq, %select_n3A_178, %eq3A_182 : vector<32x1024xf32>
    %jit3A_184 = arith.constant 1073741824 : i32
    %broadcast_in_dim3A_185 = vector.broadcast %jit3A_184 : i32 to vector<32x1024xi32>
    %select_n3A_186 = arith.select %eq3A_183, %reshape3A_146, %broadcast_in_dim3A_185 : vector<32x1024xi1>, vector<32x1024xi32>
    %reduce_min3A_187 = arith.constant dense<2147483647> : vector<32xi32>
    %reduce_min3A_188 = vector.multi_reduction <minsi>, %select_n3A_186, %reduce_min3A_187 [1] : vector<32x1024xi32> to vector<32xi32>
    %broadcast_in_dim3A_189 = vector.shape_cast %reduce_min3A_188 : vector<32xi32> to vector<32x1xi32>
    %eq3A_190 = vector.broadcast %broadcast_in_dim3A_189 : vector<32x1xi32> to vector<32x1024xi32>
    %eq3A_191 = arith.cmpi eq, %reshape3A_146, %eq3A_190 : vector<32x1024xi32>
    %jit3A_192 = arith.constant -3.000000e+38 : f32
    %broadcast_in_dim3A_193 = vector.broadcast %jit3A_192 : f32 to vector<32x1024xf32>
    %select_n3A_194 = arith.select %eq3A_191, %broadcast_in_dim3A_193, %select_n3A_178 : vector<32x1024xi1>, vector<32x1024xf32>
    %reduce_max3A_195 = arith.constant dense<0xFF800000> : vector<32xf32>
    %reduce_max3A_196 = vector.multi_reduction <maximumf>, %select_n3A_194, %reduce_max3A_195 [1] : vector<32x1024xf32> to vector<32xf32>
    %broadcast_in_dim3A_197 = vector.shape_cast %reduce_max3A_196 : vector<32xf32> to vector<32x1xf32>
    %eq3A_198 = vector.broadcast %broadcast_in_dim3A_197 : vector<32x1xf32> to vector<32x1024xf32>
    %eq3A_199 = arith.cmpf oeq, %select_n3A_194, %eq3A_198 : vector<32x1024xf32>
    %jit3A_200 = arith.constant 1073741824 : i32
    %broadcast_in_dim3A_201 = vector.broadcast %jit3A_200 : i32 to vector<32x1024xi32>
    %select_n3A_202 = arith.select %eq3A_199, %reshape3A_146, %broadcast_in_dim3A_201 : vector<32x1024xi1>, vector<32x1024xi32>
    %reduce_min3A_203 = arith.constant dense<2147483647> : vector<32xi32>
    %reduce_min3A_204 = vector.multi_reduction <minsi>, %select_n3A_202, %reduce_min3A_203 [1] : vector<32x1024xi32> to vector<32xi32>
    %broadcast_in_dim3A_205 = vector.shape_cast %reduce_min3A_204 : vector<32xi32> to vector<32x1xi32>
    %eq3A_206 = vector.broadcast %broadcast_in_dim3A_205 : vector<32x1xi32> to vector<32x1024xi32>
    %eq3A_207 = arith.cmpi eq, %reshape3A_146, %eq3A_206 : vector<32x1024xi32>
    %jit3A_208 = arith.constant -3.000000e+38 : f32
    %broadcast_in_dim3A_209 = vector.broadcast %jit3A_208 : f32 to vector<32x1024xf32>
    %select_n3A_210 = arith.select %eq3A_207, %broadcast_in_dim3A_209, %select_n3A_194 : vector<32x1024xi1>, vector<32x1024xf32>
    %reduce_max3A_211 = arith.constant dense<0xFF800000> : vector<32xf32>
    %reduce_max3A_212 = vector.multi_reduction <maximumf>, %select_n3A_210, %reduce_max3A_211 [1] : vector<32x1024xf32> to vector<32xf32>
    %broadcast_in_dim3A_213 = vector.shape_cast %reduce_max3A_212 : vector<32xf32> to vector<32x1xf32>
    %eq3A_214 = vector.broadcast %broadcast_in_dim3A_213 : vector<32x1xf32> to vector<32x1024xf32>
    %eq3A_215 = arith.cmpf oeq, %select_n3A_210, %eq3A_214 : vector<32x1024xf32>
    %jit3A_216 = arith.constant 1073741824 : i32
    %broadcast_in_dim3A_217 = vector.broadcast %jit3A_216 : i32 to vector<32x1024xi32>
    %select_n3A_218 = arith.select %eq3A_215, %reshape3A_146, %broadcast_in_dim3A_217 : vector<32x1024xi1>, vector<32x1024xi32>
    %reduce_min3A_219 = arith.constant dense<2147483647> : vector<32xi32>
    %reduce_min3A_220 = vector.multi_reduction <minsi>, %select_n3A_218, %reduce_min3A_219 [1] : vector<32x1024xi32> to vector<32xi32>
    %broadcast_in_dim3A_221 = vector.shape_cast %reduce_min3A_220 : vector<32xi32> to vector<32x1xi32>
    %eq3A_222 = vector.broadcast %broadcast_in_dim3A_221 : vector<32x1xi32> to vector<32x1024xi32>
    %eq3A_223 = arith.cmpi eq, %reshape3A_146, %eq3A_222 : vector<32x1024xi32>
    %jit3A_224 = arith.constant -3.000000e+38 : f32
    %broadcast_in_dim3A_225 = vector.broadcast %jit3A_224 : f32 to vector<32x1024xf32>
    %select_n3A_226 = arith.select %eq3A_223, %broadcast_in_dim3A_225, %select_n3A_210 : vector<32x1024xi1>, vector<32x1024xf32>
    %reduce_max3A_227 = arith.constant dense<0xFF800000> : vector<32xf32>
    %reduce_max3A_228 = vector.multi_reduction <maximumf>, %select_n3A_226, %reduce_max3A_227 [1] : vector<32x1024xf32> to vector<32xf32>
    %broadcast_in_dim3A_229 = vector.shape_cast %reduce_max3A_228 : vector<32xf32> to vector<32x1xf32>
    %eq3A_230 = vector.broadcast %broadcast_in_dim3A_229 : vector<32x1xf32> to vector<32x1024xf32>
    %eq3A_231 = arith.cmpf oeq, %select_n3A_226, %eq3A_230 : vector<32x1024xf32>
    %jit3A_232 = arith.constant 1073741824 : i32
    %broadcast_in_dim3A_233 = vector.broadcast %jit3A_232 : i32 to vector<32x1024xi32>
    %select_n3A_234 = arith.select %eq3A_231, %reshape3A_146, %broadcast_in_dim3A_233 : vector<32x1024xi1>, vector<32x1024xi32>
    %reduce_min3A_235 = arith.constant dense<2147483647> : vector<32xi32>
    %reduce_min3A_236 = vector.multi_reduction <minsi>, %select_n3A_234, %reduce_min3A_235 [1] : vector<32x1024xi32> to vector<32xi32>
    %broadcast_in_dim3A_237 = vector.shape_cast %reduce_min3A_236 : vector<32xi32> to vector<32x1xi32>
    %eq3A_238 = vector.broadcast %broadcast_in_dim3A_237 : vector<32x1xi32> to vector<32x1024xi32>
    %eq3A_239 = arith.cmpi eq, %reshape3A_146, %eq3A_238 : vector<32x1024xi32>
    %jit3A_240 = arith.constant -3.000000e+38 : f32
    %broadcast_in_dim3A_241 = vector.broadcast %jit3A_240 : f32 to vector<32x1024xf32>
    %select_n3A_242 = arith.select %eq3A_239, %broadcast_in_dim3A_241, %select_n3A_226 : vector<32x1024xi1>, vector<32x1024xf32>
    %reduce_max3A_243 = arith.constant dense<0xFF800000> : vector<32xf32>
    %reduce_max3A_244 = vector.multi_reduction <maximumf>, %select_n3A_242, %reduce_max3A_243 [1] : vector<32x1024xf32> to vector<32xf32>
    %broadcast_in_dim3A_245 = vector.shape_cast %reduce_max3A_244 : vector<32xf32> to vector<32x1xf32>
    %eq3A_246 = vector.broadcast %broadcast_in_dim3A_245 : vector<32x1xf32> to vector<32x1024xf32>
    %eq3A_247 = arith.cmpf oeq, %select_n3A_242, %eq3A_246 : vector<32x1024xf32>
    %jit3A_248 = arith.constant 1073741824 : i32
    %broadcast_in_dim3A_249 = vector.broadcast %jit3A_248 : i32 to vector<32x1024xi32>
    %select_n3A_250 = arith.select %eq3A_247, %reshape3A_146, %broadcast_in_dim3A_249 : vector<32x1024xi1>, vector<32x1024xi32>
    %reduce_min3A_251 = arith.constant dense<2147483647> : vector<32xi32>
    %reduce_min3A_252 = vector.multi_reduction <minsi>, %select_n3A_250, %reduce_min3A_251 [1] : vector<32x1024xi32> to vector<32xi32>
    %broadcast_in_dim3A_253 = vector.shape_cast %reduce_min3A_252 : vector<32xi32> to vector<32x1xi32>
    %eq3A_254 = vector.broadcast %broadcast_in_dim3A_253 : vector<32x1xi32> to vector<32x1024xi32>
    %eq3A_255 = arith.cmpi eq, %reshape3A_146, %eq3A_254 : vector<32x1024xi32>
    %jit3A_256 = arith.constant -3.000000e+38 : f32
    %broadcast_in_dim3A_257 = vector.broadcast %jit3A_256 : f32 to vector<32x1024xf32>
    %select_n3A_258 = arith.select %eq3A_255, %broadcast_in_dim3A_257, %select_n3A_242 : vector<32x1024xi1>, vector<32x1024xf32>
    %reduce_max3A_259 = arith.constant dense<0xFF800000> : vector<32xf32>
    %reduce_max3A_260 = vector.multi_reduction <maximumf>, %select_n3A_258, %reduce_max3A_259 [1] : vector<32x1024xf32> to vector<32xf32>
    %broadcast_in_dim3A_261 = vector.shape_cast %reduce_max3A_260 : vector<32xf32> to vector<32x1xf32>
    %eq3A_262 = vector.broadcast %broadcast_in_dim3A_261 : vector<32x1xf32> to vector<32x1024xf32>
    %eq3A_263 = arith.cmpf oeq, %select_n3A_258, %eq3A_262 : vector<32x1024xf32>
    %jit3A_264 = arith.constant 1073741824 : i32
    %broadcast_in_dim3A_265 = vector.broadcast %jit3A_264 : i32 to vector<32x1024xi32>
    %select_n3A_266 = arith.select %eq3A_263, %reshape3A_146, %broadcast_in_dim3A_265 : vector<32x1024xi1>, vector<32x1024xi32>
    %reduce_min3A_267 = arith.constant dense<2147483647> : vector<32xi32>
    %reduce_min3A_268 = vector.multi_reduction <minsi>, %select_n3A_266, %reduce_min3A_267 [1] : vector<32x1024xi32> to vector<32xi32>
    %broadcast_in_dim3A_269 = vector.shape_cast %reduce_min3A_268 : vector<32xi32> to vector<32x1xi32>
    %concatenate3A_270 = tpu.concatenate %broadcast_in_dim3A_157, %broadcast_in_dim3A_173, %broadcast_in_dim3A_189, %broadcast_in_dim3A_205, %broadcast_in_dim3A_221, %broadcast_in_dim3A_237, %broadcast_in_dim3A_253, %broadcast_in_dim3A_269 in 1 : vector<32x1xi32>, vector<32x1xi32>, vector<32x1xi32>, vector<32x1xi32>, vector<32x1xi32>, vector<32x1xi32>, vector<32x1xi32>, vector<32x1xi32> -> vector<32x8xi32>
    %swap3A_271 = arith.constant 0 : index
    %swap3A_272 = arith.constant 0 : index
    %swap3A_273 = vector.load %arg3[%swap3A_271, %swap3A_272] : memref<32x8xi32, #tpu.memory_space<vmem>>, vector<32x8xi32>
    tpu.vector_store %arg3[%swap3A_271, %swap3A_272], %concatenate3A_270 {strides = array<i32>} : memref<32x8xi32, #tpu.memory_space<vmem>>, vector<32x8xi32>,
    return
  }
  func.func @transform_0(%arg0: i32) -> (i32, i32) {
    %c0_i32 = arith.constant 0 : i32
    %c0_i32_0 = arith.constant 0 : i32
    return %arg0, %c0_i32 : i32, i32
  }
  func.func @transform_1(%arg0: i32) -> (i32, i32) {
    %c0_i32 = arith.constant 0 : i32
    %c0_i32_0 = arith.constant 0 : i32
    return %arg0, %c0_i32 : i32, i32
  }
  func.func @transform_2(%arg0: i32) -> (i32, i32) {
    %c0_i32 = arith.constant 0 : i32
    %c0_i32_0 = arith.constant 0 : i32
    return %arg0, %c0_i32 : i32, i32
  }
}

module attributes {stable_mosaic.version = 14 : i64} {
  func.func @_k3_body(%arg0: i32, %arg1: memref<160x512xf32, #tpu.memory_space<vmem>>, %arg2: memref<256x512xf32, #tpu.memory_space<vmem>>, %arg3: memref<256x512xf32, #tpu.memory_space<vmem>>, %arg4: memref<1024x512xf32, #tpu.memory_space<vmem>>, %arg5: memref<256x8x128xf32, #tpu.memory_space<vmem>>, %arg6: memref<256x512xf32, #tpu.memory_space<vmem>>, %arg7: memref<256x1xf32, #tpu.memory_space<vmem>>) attributes {dimension_semantics = [#tpu.dimension_semantics<arbitrary>], iteration_bounds = array<i64: 49>, scalar_prefetch = 0 : i64, scratch_operands = 2 : i64, tpu.core_type = #tpu.core_type<tc>, window_params = [{pipeline_mode = #tpu.pipeline_mode<synchronous>, transform_indices = @transform_0, window_bounds = array<i64: 160, 512>}, {pipeline_mode = #tpu.pipeline_mode<synchronous>, transform_indices = @transform_1, window_bounds = array<i64: 256, 512>}, {pipeline_mode = #tpu.pipeline_mode<synchronous>, transform_indices = @transform_2, window_bounds = array<i64: 256, 512>}, {transform_indices = @transform_3, window_bounds = array<i64: 1024, 512>}, {transform_indices = @transform_4, window_bounds = array<i64: 256, 8, 128>}]} {
    %eq3A = arith.constant 0 : i32
    %eq3A_0 = arith.cmpi eq, %arg0, %eq3A : i32
    %convert_element_type3A = arith.extui %eq3A_0 : i1 to i32
    %cond3A = arith.constant 0 : i32
    %cond3A_1 = arith.cmpi ne, %convert_element_type3A, %cond3A : i32
    scf.if %cond3A_1 {
      %get3A_71 = arith.constant 0 : index
      %get3A_72 = arith.constant 0 : index
      %get3A_73 = vector.load %arg1[%get3A_71, %get3A_72] : memref<160x512xf32, #tpu.memory_space<vmem>>, vector<160x512xf32>
      %get3A_74 = arith.constant 0 : index
      %get3A_75 = arith.constant 0 : index
      %get3A_76 = vector.load %arg2[%get3A_74, %get3A_75] : memref<256x512xf32, #tpu.memory_space<vmem>>, vector<256x512xf32>
      %concatenate3A = tpu.concatenate %get3A_73, %get3A_76 in 0 : vector<160x512xf32>, vector<256x512xf32> -> vector<416x512xf32>
      %iota3A = tpu.iota {dimensions = array<i32: 0>} : vector<256x416xi32>
      %iota3A_77 = tpu.iota {dimensions = array<i32: 1>} : vector<256x416xi32>
      %jit3A = arith.constant 8 : i32
      %div3A_78 = vector.broadcast %jit3A : i32 to vector<256x416xi32>
      %div3A_79 = arith.divsi %iota3A, %div3A_78 : vector<256x416xi32>
      %sign3A = arith.constant 0 : i32
      %sign3A_80 = vector.broadcast %sign3A : i32 to vector<256x416xi32>
      %sign3A_81 = arith.cmpi sgt, %iota3A, %sign3A_80 : vector<256x416xi32>
      %sign3A_82 = arith.extui %sign3A_81 : vector<256x416xi1> to vector<256x416xi32>
      %sign3A_83 = arith.constant 0 : i32
      %sign3A_84 = vector.broadcast %sign3A_83 : i32 to vector<256x416xi32>
      %sign3A_85 = arith.cmpi slt, %iota3A, %sign3A_84 : vector<256x416xi32>
      %sign3A_86 = arith.extui %sign3A_85 : vector<256x416xi1> to vector<256x416xi32>
      %sign3A_87 = arith.subi %sign3A_82, %sign3A_86 : vector<256x416xi32>
      %sign3A_88 = arith.constant 0 : i32
      %sign3A_89 = arith.cmpi sgt, %jit3A, %sign3A_88 : i32
      %sign3A_90 = arith.extui %sign3A_89 : i1 to i32
      %sign3A_91 = arith.constant 0 : i32
      %sign3A_92 = arith.cmpi slt, %jit3A, %sign3A_91 : i32
      %sign3A_93 = arith.extui %sign3A_92 : i1 to i32
      %sign3A_94 = arith.subi %sign3A_90, %sign3A_93 : i32
      %ne3A = vector.broadcast %sign3A_94 : i32 to vector<256x416xi32>
      %ne3A_95 = arith.cmpi ne, %sign3A_87, %ne3A : vector<256x416xi32>
      %rem3A = vector.broadcast %jit3A : i32 to vector<256x416xi32>
      %rem3A_96 = arith.remsi %iota3A, %rem3A : vector<256x416xi32>
      %ne3A_97 = arith.constant 0 : i32
      %ne3A_98 = vector.broadcast %ne3A_97 : i32 to vector<256x416xi32>
      %ne3A_99 = arith.cmpi ne, %rem3A_96, %ne3A_98 : vector<256x416xi32>
      %and3A = arith.andi %ne3A_95, %ne3A_99 : vector<256x416xi1>
      %sub3A = arith.constant 1 : i32
      %sub3A_100 = vector.broadcast %sub3A : i32 to vector<256x416xi32>
      %sub3A_101 = arith.subi %div3A_79, %sub3A_100 : vector<256x416xi32>
      %select_n3A = arith.select %and3A, %sub3A_101, %div3A_79 : vector<256x416xi1>, vector<256x416xi32>
      %jit3A_102 = arith.constant 8 : i32
      %eq3A_103 = arith.constant 0 : i32
      %eq3A_104 = arith.cmpi eq, %jit3A_102, %eq3A_103 : i32
      %jit3A_105 = arith.constant 1 : i32
      %select_n3A_106 = arith.select %eq3A_104, %jit3A_105, %jit3A_102 : i32
      %rem3A_107 = vector.broadcast %select_n3A_106 : i32 to vector<256x416xi32>
      %rem3A_108 = arith.remsi %iota3A, %rem3A_107 : vector<256x416xi32>
      %ne3A_109 = arith.constant 0 : i32
      %ne3A_110 = vector.broadcast %ne3A_109 : i32 to vector<256x416xi32>
      %ne3A_111 = arith.cmpi ne, %rem3A_108, %ne3A_110 : vector<256x416xi32>
      %lt3A = arith.constant 0 : i32
      %lt3A_112 = vector.broadcast %lt3A : i32 to vector<256x416xi32>
      %lt3A_113 = arith.cmpi slt, %rem3A_108, %lt3A_112 : vector<256x416xi32>
      %lt3A_114 = arith.constant 0 : i32
      %lt3A_115 = arith.cmpi slt, %select_n3A_106, %lt3A_114 : i32
      %ne3A_116 = vector.broadcast %lt3A_115 : i1 to vector<256x416xi1>
      %ne3A_117 = vector.broadcast %ne3A_116 : vector<256x416xi1> to vector<256x416xi1>
      %ne3A_118 = arith.xori %lt3A_113, %ne3A_117 : vector<256x416xi1>
      %and3A_119 = arith.andi %ne3A_118, %ne3A_111 : vector<256x416xi1>
      %add3A = vector.broadcast %select_n3A_106 : i32 to vector<256x416xi32>
      %add3A_120 = arith.addi %rem3A_108, %add3A : vector<256x416xi32>
      %select_n3A_121 = arith.select %and3A_119, %add3A_120, %rem3A_108 : vector<256x416xi1>, vector<256x416xi32>
      %jit3A_122 = arith.constant 8 : i32
      %div3A_123 = vector.broadcast %jit3A_122 : i32 to vector<256x416xi32>
      %div3A_124 = arith.divsi %iota3A_77, %div3A_123 : vector<256x416xi32>
      %sign3A_125 = arith.constant 0 : i32
      %sign3A_126 = vector.broadcast %sign3A_125 : i32 to vector<256x416xi32>
      %sign3A_127 = arith.cmpi sgt, %iota3A_77, %sign3A_126 : vector<256x416xi32>
      %sign3A_128 = arith.extui %sign3A_127 : vector<256x416xi1> to vector<256x416xi32>
      %sign3A_129 = arith.constant 0 : i32
      %sign3A_130 = vector.broadcast %sign3A_129 : i32 to vector<256x416xi32>
      %sign3A_131 = arith.cmpi slt, %iota3A_77, %sign3A_130 : vector<256x416xi32>
      %sign3A_132 = arith.extui %sign3A_131 : vector<256x416xi1> to vector<256x416xi32>
      %sign3A_133 = arith.subi %sign3A_128, %sign3A_132 : vector<256x416xi32>
      %sign3A_134 = arith.constant 0 : i32
      %sign3A_135 = arith.cmpi sgt, %jit3A_122, %sign3A_134 : i32
      %sign3A_136 = arith.extui %sign3A_135 : i1 to i32
      %sign3A_137 = arith.constant 0 : i32
      %sign3A_138 = arith.cmpi slt, %jit3A_122, %sign3A_137 : i32
      %sign3A_139 = arith.extui %sign3A_138 : i1 to i32
      %sign3A_140 = arith.subi %sign3A_136, %sign3A_139 : i32
      %ne3A_141 = vector.broadcast %sign3A_140 : i32 to vector<256x416xi32>
      %ne3A_142 = arith.cmpi ne, %sign3A_133, %ne3A_141 : vector<256x416xi32>
      %rem3A_143 = vector.broadcast %jit3A_122 : i32 to vector<256x416xi32>
      %rem3A_144 = arith.remsi %iota3A_77, %rem3A_143 : vector<256x416xi32>
      %ne3A_145 = arith.constant 0 : i32
      %ne3A_146 = vector.broadcast %ne3A_145 : i32 to vector<256x416xi32>
      %ne3A_147 = arith.cmpi ne, %rem3A_144, %ne3A_146 : vector<256x416xi32>
      %and3A_148 = arith.andi %ne3A_142, %ne3A_147 : vector<256x416xi1>
      %sub3A_149 = arith.constant 1 : i32
      %sub3A_150 = vector.broadcast %sub3A_149 : i32 to vector<256x416xi32>
      %sub3A_151 = arith.subi %div3A_124, %sub3A_150 : vector<256x416xi32>
      %select_n3A_152 = arith.select %and3A_148, %sub3A_151, %div3A_124 : vector<256x416xi1>, vector<256x416xi32>
      %jit3A_153 = arith.constant 8 : i32
      %eq3A_154 = arith.constant 0 : i32
      %eq3A_155 = arith.cmpi eq, %jit3A_153, %eq3A_154 : i32
      %jit3A_156 = arith.constant 1 : i32
      %select_n3A_157 = arith.select %eq3A_155, %jit3A_156, %jit3A_153 : i32
      %rem3A_158 = vector.broadcast %select_n3A_157 : i32 to vector<256x416xi32>
      %rem3A_159 = arith.remsi %iota3A_77, %rem3A_158 : vector<256x416xi32>
      %ne3A_160 = arith.constant 0 : i32
      %ne3A_161 = vector.broadcast %ne3A_160 : i32 to vector<256x416xi32>
      %ne3A_162 = arith.cmpi ne, %rem3A_159, %ne3A_161 : vector<256x416xi32>
      %lt3A_163 = arith.constant 0 : i32
      %lt3A_164 = vector.broadcast %lt3A_163 : i32 to vector<256x416xi32>
      %lt3A_165 = arith.cmpi slt, %rem3A_159, %lt3A_164 : vector<256x416xi32>
      %lt3A_166 = arith.constant 0 : i32
      %lt3A_167 = arith.cmpi slt, %select_n3A_157, %lt3A_166 : i32
      %ne3A_168 = vector.broadcast %lt3A_167 : i1 to vector<256x416xi1>
      %ne3A_169 = vector.broadcast %ne3A_168 : vector<256x416xi1> to vector<256x416xi1>
      %ne3A_170 = arith.xori %lt3A_165, %ne3A_169 : vector<256x416xi1>
      %and3A_171 = arith.andi %ne3A_170, %ne3A_162 : vector<256x416xi1>
      %add3A_172 = vector.broadcast %select_n3A_157 : i32 to vector<256x416xi32>
      %add3A_173 = arith.addi %rem3A_159, %add3A_172 : vector<256x416xi32>
      %select_n3A_174 = arith.select %and3A_171, %add3A_173, %rem3A_159 : vector<256x416xi1>, vector<256x416xi32>
      %eq3A_175 = arith.cmpi eq, %select_n3A_121, %select_n3A_174 : vector<256x416xi32>
      %add3A_176 = arith.constant 1 : i32
      %add3A_177 = vector.broadcast %add3A_176 : i32 to vector<256x416xi32>
      %add3A_178 = arith.addi %select_n3A, %add3A_177 : vector<256x416xi32>
      %ge3A = arith.cmpi sge, %select_n3A_152, %add3A_178 : vector<256x416xi32>
      %and3A_179 = arith.andi %eq3A_175, %ge3A : vector<256x416xi1>
      %add3A_180 = arith.constant 20 : i32
      %add3A_181 = vector.broadcast %add3A_180 : i32 to vector<256x416xi32>
      %add3A_182 = arith.addi %select_n3A, %add3A_181 : vector<256x416xi32>
      %le3A = arith.cmpi sle, %select_n3A_152, %add3A_182 : vector<256x416xi32>
      %and3A_183 = arith.andi %and3A_179, %le3A : vector<256x416xi1>
      %jit3A_184 = arith.constant 5.000000e-02 : f32
      %jit3A_185 = arith.constant 0.000000e+00 : f32
      %broadcast_in_dim3A_186 = vector.broadcast %jit3A_184 : f32 to vector<256x416xf32>
      %broadcast_in_dim3A_187 = vector.broadcast %jit3A_185 : f32 to vector<256x416xf32>
      %select_n3A_188 = arith.select %and3A_183, %broadcast_in_dim3A_186, %broadcast_in_dim3A_187 : vector<256x416xi1>, vector<256x416xf32>
      %get3A_189 = arith.constant 0 : index
      %get3A_190 = arith.constant 0 : index
      %get3A_191 = vector.load %arg3[%get3A_189, %get3A_190] : memref<256x512xf32, #tpu.memory_space<vmem>>, vector<256x512xf32>
      %dot_general3A_192 = arith.constant dense<0.000000e+00> : vector<256x512xf32>
      %dot_general3A_193 = tpu.matmul %select_n3A_188, %concatenate3A, %dot_general3A_192 {dimension_numbers = #tpu.dot_dimension_numbers<[1], [0], [0], [1], [0, 0, 1, 1], [], []>, precision = #tpu.contract_precision<fp32>, transpose_lhs_hint = false} : vector<256x416xf32>, vector<416x512xf32>, vector<256x512xf32> -> vector<256x512xf32>
      %add3A_194 = arith.addf %get3A_191, %dot_general3A_193 : vector<256x512xf32>
      %swap3A_195 = arith.constant 0 : index
      %swap3A_196 = arith.constant 0 : index
      %swap3A_197 = vector.load %arg6[%swap3A_195, %swap3A_196] : memref<256x512xf32, #tpu.memory_space<vmem>>, vector<256x512xf32>
      tpu.vector_store %arg6[%swap3A_195, %swap3A_196], %add3A_194 {strides = array<i32>} : memref<256x512xf32, #tpu.memory_space<vmem>>, vector<256x512xf32>,
      %mul3A_198 = arith.mulf %add3A_194, %add3A_194 : vector<256x512xf32>
      %reduce_sum3A_199 = arith.constant dense<0.000000e+00> : vector<256xf32>
      %reduce_sum3A_200 = vector.multi_reduction <add>, %mul3A_198, %reduce_sum3A_199 [1] : vector<256x512xf32> to vector<256xf32>
      %broadcast_in_dim3A_201 = vector.shape_cast %reduce_sum3A_200 : vector<256xf32> to vector<256x1xf32>
      %sqrt3A_202 = math.sqrt %broadcast_in_dim3A_201 : vector<256x1xf32>
      %swap3A_203 = arith.constant 0 : index
      %swap3A_204 = arith.constant 0 : index
      %swap3A_205 = vector.load %arg7[%swap3A_203, %swap3A_204] : memref<256x1xf32, #tpu.memory_space<vmem>>, vector<256x1xf32>
      tpu.vector_store %arg7[%swap3A_203, %swap3A_204], %sqrt3A_202 {strides = array<i32>} : memref<256x1xf32, #tpu.memory_space<vmem>>, vector<256x1xf32>,
    } else {
    }
    %get3A = arith.constant 0 : index
    %get3A_2 = arith.constant 0 : index
    %get3A_3 = vector.load %arg4[%get3A, %get3A_2] : memref<1024x512xf32, #tpu.memory_space<vmem>>, vector<1024x512xf32>
    %get3A_4 = arith.constant 0 : index
    %get3A_5 = arith.constant 0 : index
    %get3A_6 = vector.load %arg6[%get3A_4, %get3A_5] : memref<256x512xf32, #tpu.memory_space<vmem>>, vector<256x512xf32>
    %dot_general3A = arith.constant dense<0.000000e+00> : vector<256x1024xf32>
    %dot_general3A_7 = tpu.matmul %get3A_6, %get3A_3, %dot_general3A {dimension_numbers = #tpu.dot_dimension_numbers<[1], [1], [0], [0], [0, 0, 1, 0], [], []>, precision = #tpu.contract_precision<fp32>, transpose_lhs_hint = false} : vector<256x512xf32>, vector<1024x512xf32>, vector<256x1024xf32> -> vector<256x1024xf32>
    %mul3A = arith.mulf %get3A_3, %get3A_3 : vector<1024x512xf32>
    %reduce_sum3A = arith.constant dense<0.000000e+00> : vector<1024xf32>
    %reduce_sum3A_8 = vector.multi_reduction <add>, %mul3A, %reduce_sum3A [1] : vector<1024x512xf32> to vector<1024xf32>
    %broadcast_in_dim3A = vector.shape_cast %reduce_sum3A_8 : vector<1024xf32> to vector<1024x1xf32>
    %sqrt3A = math.sqrt %broadcast_in_dim3A : vector<1024x1xf32>
    %get3A_9 = arith.constant 0 : index
    %get3A_10 = arith.constant 0 : index
    %get3A_11 = vector.load %arg7[%get3A_9, %get3A_10] : memref<256x1xf32, #tpu.memory_space<vmem>>, vector<256x1xf32>
    %transpose3A = tpu.transpose %sqrt3A, [1, 0] : vector<1024x1xf32> -> vector<1x1024xf32>
    %mul3A_12 = vector.broadcast %get3A_11 : vector<256x1xf32> to vector<256x1024xf32>
    %mul3A_13 = vector.broadcast %transpose3A : vector<1x1024xf32> to vector<256x1024xf32>
    %mul3A_14 = arith.mulf %mul3A_12, %mul3A_13 : vector<256x1024xf32>
    %max3A = arith.constant 9.99999993E-9 : f32
    %max3A_15 = vector.broadcast %max3A : f32 to vector<256x1024xf32>
    %max3A_16 = arith.maximumf %mul3A_14, %max3A_15 : vector<256x1024xf32>
    %div3A = arith.divf %dot_general3A_7, %max3A_16 : vector<256x1024xf32>
    %slice3A = vector.extract_strided_slice %div3A {offsets = [0, 0], sizes = [256, 128], strides = [1, 1]} : vector<256x1024xf32> to vector<256x128xf32>
    %swap3A = arith.constant 0 : index
    %swap3A_17 = arith.constant 0 : index
    %swap3A_18 = arith.constant 0 : index
    %swap3A_19 = vector.load %arg5[%swap3A, %swap3A_17, %swap3A_18] : memref<256x8x128xf32, #tpu.memory_space<vmem>>, vector<256x1x128xf32>
    %swap3A_20 = vector.shape_cast %swap3A_19 : vector<256x1x128xf32> to vector<256x128xf32>
    %swap3A_21 = vector.shape_cast %slice3A : vector<256x128xf32> to vector<256x1x128xf32>
    tpu.vector_store %arg5[%swap3A, %swap3A_17, %swap3A_18], %swap3A_21 {strides = array<i32>} : memref<256x8x128xf32, #tpu.memory_space<vmem>>, vector<256x1x128xf32>,
    %slice3A_22 = vector.extract_strided_slice %div3A {offsets = [0, 128], sizes = [256, 128], strides = [1, 1]} : vector<256x1024xf32> to vector<256x128xf32>
    %swap3A_23 = arith.constant 0 : index
    %swap3A_24 = arith.constant 1 : index
    %swap3A_25 = arith.constant 0 : index
    %swap3A_26 = vector.load %arg5[%swap3A_23, %swap3A_24, %swap3A_25] : memref<256x8x128xf32, #tpu.memory_space<vmem>>, vector<256x1x128xf32>
    %swap3A_27 = vector.shape_cast %swap3A_26 : vector<256x1x128xf32> to vector<256x128xf32>
    %swap3A_28 = vector.shape_cast %slice3A_22 : vector<256x128xf32> to vector<256x1x128xf32>
    tpu.vector_store %arg5[%swap3A_23, %swap3A_24, %swap3A_25], %swap3A_28 {strides = array<i32>} : memref<256x8x128xf32, #tpu.memory_space<vmem>>, vector<256x1x128xf32>,
    %slice3A_29 = vector.extract_strided_slice %div3A {offsets = [0, 256], sizes = [256, 128], strides = [1, 1]} : vector<256x1024xf32> to vector<256x128xf32>
    %swap3A_30 = arith.constant 0 : index
    %swap3A_31 = arith.constant 2 : index
    %swap3A_32 = arith.constant 0 : index
    %swap3A_33 = vector.load %arg5[%swap3A_30, %swap3A_31, %swap3A_32] : memref<256x8x128xf32, #tpu.memory_space<vmem>>, vector<256x1x128xf32>
    %swap3A_34 = vector.shape_cast %swap3A_33 : vector<256x1x128xf32> to vector<256x128xf32>
    %swap3A_35 = vector.shape_cast %slice3A_29 : vector<256x128xf32> to vector<256x1x128xf32>
    tpu.vector_store %arg5[%swap3A_30, %swap3A_31, %swap3A_32], %swap3A_35 {strides = array<i32>} : memref<256x8x128xf32, #tpu.memory_space<vmem>>, vector<256x1x128xf32>,
    %slice3A_36 = vector.extract_strided_slice %div3A {offsets = [0, 384], sizes = [256, 128], strides = [1, 1]} : vector<256x1024xf32> to vector<256x128xf32>
    %swap3A_37 = arith.constant 0 : index
    %swap3A_38 = arith.constant 3 : index
    %swap3A_39 = arith.constant 0 : index
    %swap3A_40 = vector.load %arg5[%swap3A_37, %swap3A_38, %swap3A_39] : memref<256x8x128xf32, #tpu.memory_space<vmem>>, vector<256x1x128xf32>
    %swap3A_41 = vector.shape_cast %swap3A_40 : vector<256x1x128xf32> to vector<256x128xf32>
    %swap3A_42 = vector.shape_cast %slice3A_36 : vector<256x128xf32> to vector<256x1x128xf32>
    tpu.vector_store %arg5[%swap3A_37, %swap3A_38, %swap3A_39], %swap3A_42 {strides = array<i32>} : memref<256x8x128xf32, #tpu.memory_space<vmem>>, vector<256x1x128xf32>,
    %slice3A_43 = vector.extract_strided_slice %div3A {offsets = [0, 512], sizes = [256, 128], strides = [1, 1]} : vector<256x1024xf32> to vector<256x128xf32>
    %swap3A_44 = arith.constant 0 : index
    %swap3A_45 = arith.constant 4 : index
    %swap3A_46 = arith.constant 0 : index
    %swap3A_47 = vector.load %arg5[%swap3A_44, %swap3A_45, %swap3A_46] : memref<256x8x128xf32, #tpu.memory_space<vmem>>, vector<256x1x128xf32>
    %swap3A_48 = vector.shape_cast %swap3A_47 : vector<256x1x128xf32> to vector<256x128xf32>
    %swap3A_49 = vector.shape_cast %slice3A_43 : vector<256x128xf32> to vector<256x1x128xf32>
    tpu.vector_store %arg5[%swap3A_44, %swap3A_45, %swap3A_46], %swap3A_49 {strides = array<i32>} : memref<256x8x128xf32, #tpu.memory_space<vmem>>, vector<256x1x128xf32>,
    %slice3A_50 = vector.extract_strided_slice %div3A {offsets = [0, 640], sizes = [256, 128], strides = [1, 1]} : vector<256x1024xf32> to vector<256x128xf32>
    %swap3A_51 = arith.constant 0 : index
    %swap3A_52 = arith.constant 5 : index
    %swap3A_53 = arith.constant 0 : index
    %swap3A_54 = vector.load %arg5[%swap3A_51, %swap3A_52, %swap3A_53] : memref<256x8x128xf32, #tpu.memory_space<vmem>>, vector<256x1x128xf32>
    %swap3A_55 = vector.shape_cast %swap3A_54 : vector<256x1x128xf32> to vector<256x128xf32>
    %swap3A_56 = vector.shape_cast %slice3A_50 : vector<256x128xf32> to vector<256x1x128xf32>
    tpu.vector_store %arg5[%swap3A_51, %swap3A_52, %swap3A_53], %swap3A_56 {strides = array<i32>} : memref<256x8x128xf32, #tpu.memory_space<vmem>>, vector<256x1x128xf32>,
    %slice3A_57 = vector.extract_strided_slice %div3A {offsets = [0, 768], sizes = [256, 128], strides = [1, 1]} : vector<256x1024xf32> to vector<256x128xf32>
    %swap3A_58 = arith.constant 0 : index
    %swap3A_59 = arith.constant 6 : index
    %swap3A_60 = arith.constant 0 : index
    %swap3A_61 = vector.load %arg5[%swap3A_58, %swap3A_59, %swap3A_60] : memref<256x8x128xf32, #tpu.memory_space<vmem>>, vector<256x1x128xf32>
    %swap3A_62 = vector.shape_cast %swap3A_61 : vector<256x1x128xf32> to vector<256x128xf32>
    %swap3A_63 = vector.shape_cast %slice3A_57 : vector<256x128xf32> to vector<256x1x128xf32>
    tpu.vector_store %arg5[%swap3A_58, %swap3A_59, %swap3A_60], %swap3A_63 {strides = array<i32>} : memref<256x8x128xf32, #tpu.memory_space<vmem>>, vector<256x1x128xf32>,
    %slice3A_64 = vector.extract_strided_slice %div3A {offsets = [0, 896], sizes = [256, 128], strides = [1, 1]} : vector<256x1024xf32> to vector<256x128xf32>
    %swap3A_65 = arith.constant 0 : index
    %swap3A_66 = arith.constant 7 : index
    %swap3A_67 = arith.constant 0 : index
    %swap3A_68 = vector.load %arg5[%swap3A_65, %swap3A_66, %swap3A_67] : memref<256x8x128xf32, #tpu.memory_space<vmem>>, vector<256x1x128xf32>
    %swap3A_69 = vector.shape_cast %swap3A_68 : vector<256x1x128xf32> to vector<256x128xf32>
    %swap3A_70 = vector.shape_cast %slice3A_64 : vector<256x128xf32> to vector<256x1x128xf32>
    tpu.vector_store %arg5[%swap3A_65, %swap3A_66, %swap3A_67], %swap3A_70 {strides = array<i32>} : memref<256x8x128xf32, #tpu.memory_space<vmem>>, vector<256x1x128xf32>,
    return
  }
  func.func @transform_0(%arg0: i32) -> (i32, i32) {
    %c0_i32 = arith.constant 0 : i32
    %c0_i32_0 = arith.constant 0 : i32
    %c0_i32_1 = arith.constant 0 : i32
    return %c0_i32, %c0_i32_0 : i32, i32
  }
  func.func @transform_1(%arg0: i32) -> (i32, i32) {
    %c0_i32 = arith.constant 0 : i32
    %c0_i32_0 = arith.constant 0 : i32
    %c0_i32_1 = arith.constant 0 : i32
    return %c0_i32, %c0_i32_0 : i32, i32
  }
  func.func @transform_2(%arg0: i32) -> (i32, i32) {
    %c0_i32 = arith.constant 0 : i32
    %c0_i32_0 = arith.constant 0 : i32
    %c0_i32_1 = arith.constant 0 : i32
    return %c0_i32, %c0_i32_0 : i32, i32
  }
  func.func @transform_3(%arg0: i32) -> (i32, i32) {
    %c0_i32 = arith.constant 0 : i32
    %c0_i32_0 = arith.constant 0 : i32
    return %arg0, %c0_i32 : i32, i32
  }
  func.func @transform_4(%arg0: i32) -> (i32, i32, i32) {
    %c0_i32 = arith.constant 0 : i32
    %c0_i32_0 = arith.constant 0 : i32
    %c0_i32_1 = arith.constant 0 : i32
    return %c0_i32, %arg0, %c0_i32_0 : i32, i32, i32
  }
}

module attributes {stable_mosaic.version = 14 : i64} {
  func.func @_k4a_body(%arg0: i32, %arg1: memref<4096x128xf32, #tpu.memory_space<vmem>>, %arg2: memref<4096x1xi32, #tpu.memory_space<vmem>>, %arg3: memref<4096x1xf32, #tpu.memory_space<vmem>>) attributes {dimension_semantics = [#tpu.dimension_semantics<arbitrary>], iteration_bounds = array<i64: 16>, scalar_prefetch = 0 : i64, scratch_operands = 0 : i64, tpu.core_type = #tpu.core_type<tc>, window_params = [{transform_indices = @transform_0, window_bounds = array<i64: 4096, 128>}, {transform_indices = @transform_1, window_bounds = array<i64: 4096, 1>}, {transform_indices = @transform_2, window_bounds = array<i64: 4096, 1>}]} {
    %iota3A = tpu.iota {dimensions = array<i32: 1>} : vector<4096x128xi32>
    %get3A = arith.constant 0 : index
    %get3A_0 = arith.constant 0 : index
    %get3A_1 = vector.load %arg2[%get3A, %get3A_0] : memref<4096x1xi32, #tpu.memory_space<vmem>>, vector<4096x1xi32>
    %eq3A = vector.broadcast %get3A_1 : vector<4096x1xi32> to vector<4096x128xi32>
    %eq3A_2 = arith.cmpi eq, %iota3A, %eq3A : vector<4096x128xi32>
    %get3A_3 = arith.constant 0 : index
    %get3A_4 = arith.constant 0 : index
    %get3A_5 = vector.load %arg1[%get3A_3, %get3A_4] : memref<4096x128xf32, #tpu.memory_space<vmem>>, vector<4096x128xf32>
    %jit3A = arith.constant 0.000000e+00 : f32
    %broadcast_in_dim3A = vector.broadcast %jit3A : f32 to vector<4096x128xf32>
    %select_n3A = arith.select %eq3A_2, %get3A_5, %broadcast_in_dim3A : vector<4096x128xi1>, vector<4096x128xf32>
    %reduce_sum3A = arith.constant dense<0.000000e+00> : vector<4096xf32>
    %reduce_sum3A_6 = vector.multi_reduction <add>, %select_n3A, %reduce_sum3A [1] : vector<4096x128xf32> to vector<4096xf32>
    %broadcast_in_dim3A_7 = vector.shape_cast %reduce_sum3A_6 : vector<4096xf32> to vector<4096x1xf32>
    %swap3A = arith.constant 0 : index
    %swap3A_8 = arith.constant 0 : index
    %swap3A_9 = vector.load %arg3[%swap3A, %swap3A_8] : memref<4096x1xf32, #tpu.memory_space<vmem>>, vector<4096x1xf32>
    tpu.vector_store %arg3[%swap3A, %swap3A_8], %broadcast_in_dim3A_7 {strides = array<i32>} : memref<4096x1xf32, #tpu.memory_space<vmem>>, vector<4096x1xf32>,
    return
  }
  func.func @transform_0(%arg0: i32) -> (i32, i32) {
    %c0_i32 = arith.constant 0 : i32
    %c0_i32_0 = arith.constant 0 : i32
    return %arg0, %c0_i32 : i32, i32
  }
  func.func @transform_1(%arg0: i32) -> (i32, i32) {
    %c0_i32 = arith.constant 0 : i32
    %c0_i32_0 = arith.constant 0 : i32
    return %arg0, %c0_i32 : i32, i32
  }
  func.func @transform_2(%arg0: i32) -> (i32, i32) {
    %c0_i32 = arith.constant 0 : i32
    %c0_i32_0 = arith.constant 0 : i32
    return %arg0, %c0_i32 : i32, i32
  }
}

module attributes {stable_mosaic.version = 14 : i64} {
  func.func @_k4_body(%arg0: i32, %arg1: memref<256x256xf32, #tpu.memory_space<vmem>>, %arg2: memref<256x256xi32, #tpu.memory_space<vmem>>, %arg3: memref<256x512xf32, #tpu.memory_space<vmem>>, %arg4: memref<256x1xi32, #tpu.memory_space<vmem>>, %arg5: memref<256x1xf32, #tpu.memory_space<vmem>>) attributes {dimension_semantics = [#tpu.dimension_semantics<arbitrary>], iteration_bounds = array<i64: 98>, scalar_prefetch = 0 : i64, scratch_operands = 2 : i64, tpu.core_type = #tpu.core_type<tc>, window_params = [{pipeline_mode = #tpu.pipeline_mode<synchronous>, transform_indices = @transform_0, window_bounds = array<i64: 256, 256>}, {pipeline_mode = #tpu.pipeline_mode<synchronous>, transform_indices = @transform_1, window_bounds = array<i64: 256, 256>}, {transform_indices = @transform_2, window_bounds = array<i64: 256, 512>}]} {
    %eq3A = arith.constant 0 : i32
    %eq3A_0 = arith.cmpi eq, %arg0, %eq3A : i32
    %convert_element_type3A = arith.extui %eq3A_0 : i1 to i32
    %cond3A = arith.constant 0 : i32
    %cond3A_1 = arith.cmpi ne, %convert_element_type3A, %cond3A : i32
    scf.if %cond3A_1 {
      %get3A_15 = arith.constant 0 : index
      %get3A_16 = arith.constant 0 : index
      %get3A_17 = vector.load %arg1[%get3A_15, %get3A_16] : memref<256x256xf32, #tpu.memory_space<vmem>>, vector<256x256xf32>
      %reduce_max3A = arith.constant dense<0xFF800000> : vector<256xf32>
      %reduce_max3A_18 = vector.multi_reduction <maximumf>, %get3A_17, %reduce_max3A [1] : vector<256x256xf32> to vector<256xf32>
      %broadcast_in_dim3A_19 = vector.shape_cast %reduce_max3A_18 : vector<256xf32> to vector<256x1xf32>
      %iota3A_20 = tpu.iota {dimensions = array<i32: 1>} : vector<256x256xi32>
      %eq3A_21 = vector.broadcast %broadcast_in_dim3A_19 : vector<256x1xf32> to vector<256x256xf32>
      %eq3A_22 = arith.cmpf oeq, %get3A_17, %eq3A_21 : vector<256x256xf32>
      %jit3A_23 = arith.constant 1073741824 : i32
      %broadcast_in_dim3A_24 = vector.broadcast %jit3A_23 : i32 to vector<256x256xi32>
      %select_n3A_25 = arith.select %eq3A_22, %iota3A_20, %broadcast_in_dim3A_24 : vector<256x256xi1>, vector<256x256xi32>
      %reduce_min3A = arith.constant dense<2147483647> : vector<256xi32>
      %reduce_min3A_26 = vector.multi_reduction <minsi>, %select_n3A_25, %reduce_min3A [1] : vector<256x256xi32> to vector<256xi32>
      %broadcast_in_dim3A_27 = vector.shape_cast %reduce_min3A_26 : vector<256xi32> to vector<256x1xi32>
      %eq3A_28 = vector.broadcast %broadcast_in_dim3A_27 : vector<256x1xi32> to vector<256x256xi32>
      %eq3A_29 = arith.cmpi eq, %iota3A_20, %eq3A_28 : vector<256x256xi32>
      %get3A_30 = arith.constant 0 : index
      %get3A_31 = arith.constant 0 : index
      %get3A_32 = vector.load %arg2[%get3A_30, %get3A_31] : memref<256x256xi32, #tpu.memory_space<vmem>>, vector<256x256xi32>
      %jit3A_33 = arith.constant 0 : i32
      %broadcast_in_dim3A_34 = vector.broadcast %jit3A_33 : i32 to vector<256x256xi32>
      %select_n3A_35 = arith.select %eq3A_29, %get3A_32, %broadcast_in_dim3A_34 : vector<256x256xi1>, vector<256x256xi32>
      %reduce_sum3A = arith.constant dense<0> : vector<256xi32>
      %reduce_sum3A_36 = vector.multi_reduction <add>, %select_n3A_35, %reduce_sum3A [1] : vector<256x256xi32> to vector<256xi32>
      %broadcast_in_dim3A_37 = vector.shape_cast %reduce_sum3A_36 : vector<256xi32> to vector<256x1xi32>
      %swap3A_38 = arith.constant 0 : index
      %swap3A_39 = arith.constant 0 : index
      %swap3A_40 = vector.load %arg4[%swap3A_38, %swap3A_39] : memref<256x1xi32, #tpu.memory_space<vmem>>, vector<256x1xi32>
      tpu.vector_store %arg4[%swap3A_38, %swap3A_39], %broadcast_in_dim3A_37 {strides = array<i32>} : memref<256x1xi32, #tpu.memory_space<vmem>>, vector<256x1xi32>,
      %swap3A_41 = arith.constant 0 : index
      %swap3A_42 = arith.constant 0 : index
      %swap3A_43 = vector.load %arg5[%swap3A_41, %swap3A_42] : memref<256x1xf32, #tpu.memory_space<vmem>>, vector<256x1xf32>
      tpu.vector_store %arg5[%swap3A_41, %swap3A_42], %broadcast_in_dim3A_19 {strides = array<i32>} : memref<256x1xf32, #tpu.memory_space<vmem>>, vector<256x1xf32>,
    } else {
    }
    %mul3A = arith.constant 512 : i32
    %mul3A_2 = arith.muli %arg0, %mul3A : i32
    %iota3A = tpu.iota {dimensions = array<i32: 1>} : vector<256x512xi32>
    %add3A = vector.broadcast %mul3A_2 : i32 to vector<256x512xi32>
    %add3A_3 = arith.addi %add3A, %iota3A : vector<256x512xi32>
    %get3A = arith.constant 0 : index
    %get3A_4 = arith.constant 0 : index
    %get3A_5 = vector.load %arg4[%get3A, %get3A_4] : memref<256x1xi32, #tpu.memory_space<vmem>>, vector<256x1xi32>
    %eq3A_6 = vector.broadcast %get3A_5 : vector<256x1xi32> to vector<256x512xi32>
    %eq3A_7 = arith.cmpi eq, %add3A_3, %eq3A_6 : vector<256x512xi32>
    %get3A_8 = arith.constant 0 : index
    %get3A_9 = arith.constant 0 : index
    %get3A_10 = vector.load %arg5[%get3A_8, %get3A_9] : memref<256x1xf32, #tpu.memory_space<vmem>>, vector<256x1xf32>
    %jit3A = arith.constant 0.000000e+00 : f32
    %broadcast_in_dim3A = vector.shape_cast %get3A_10 : vector<256x1xf32> to vector<256x1xf32>
    %broadcast_in_dim3A_11 = vector.broadcast %broadcast_in_dim3A : vector<256x1xf32> to vector<256x512xf32>
    %broadcast_in_dim3A_12 = vector.broadcast %jit3A : f32 to vector<256x512xf32>
    %select_n3A = arith.select %eq3A_7, %broadcast_in_dim3A_11, %broadcast_in_dim3A_12 : vector<256x512xi1>, vector<256x512xf32>
    %swap3A = arith.constant 0 : index
    %swap3A_13 = arith.constant 0 : index
    %swap3A_14 = vector.load %arg3[%swap3A, %swap3A_13] : memref<256x512xf32, #tpu.memory_space<vmem>>, vector<256x512xf32>
    tpu.vector_store %arg3[%swap3A, %swap3A_13], %select_n3A {strides = array<i32>} : memref<256x512xf32, #tpu.memory_space<vmem>>, vector<256x512xf32>,
    return
  }
  func.func @transform_0(%arg0: i32) -> (i32, i32) {
    %c0_i32 = arith.constant 0 : i32
    %c0_i32_0 = arith.constant 0 : i32
    %c0_i32_1 = arith.constant 0 : i32
    return %c0_i32, %c0_i32_0 : i32, i32
  }
  func.func @transform_1(%arg0: i32) -> (i32, i32) {
    %c0_i32 = arith.constant 0 : i32
    %c0_i32_0 = arith.constant 0 : i32
    %c0_i32_1 = arith.constant 0 : i32
    return %c0_i32, %c0_i32_0 : i32, i32
  }
  func.func @transform_2(%arg0: i32) -> (i32, i32) {
    %c0_i32 = arith.constant 0 : i32
    %c0_i32_0 = arith.constant 0 : i32
    return %c0_i32, %arg0 : i32, i32
  }
}

</mosaic_0001>

<sc_bundles>
// kernel: kernel.10.cloned.1.call-start
scs
__scs_entry_jumppad:
0x0: {  	(pc) =	sbr.rel $0x88, $3  }
0x1: {  	(tag) =	ssettag $0x0;
	lr =	simm.s32 $0x1  }
0x2: {  	[smem:$0x3F9A] =	sst lr;
	_ =	strace $0xD0000000  }
0x3: {  	_ = 	snop  }
0x4: {  	_ = 	snop  }
0x5: {  	_ = 	snop  }
0x6: {  	_ = 	snop  }
0x7: {  	_ = 	snop  }
__scs_overlays_trampoline_lowered:
0x8: {  	[smem:$0x3FA9] =	sst s0  }
0x9: {  	[smem:$0x3FAA] =	sst s1  }
0xa: {  	[smem:$0x3FAB] =	sst s2  }
0xb: {  	[smem:$0x3FAC] =	sst s3  }
0xc: {  	[smem:$0x3FAD] =	sst s4  }
0xd: {  	[smem:$0x3FAE] =	sst s5  }
0xe: {  	[smem:$0x3FAF] =	sst s6  }
0xf: {  	[smem:$0x3FB0] =	sst s7  }
0x10: {  	[smem:$0x3FB1] =	sst s8  }
0x11: {  	[smem:$0x3FB2] =	sst s9;
	s0 =	simm.s32 @!p0 $0x0  }
0x12: {  	s1 =	sld [smem:$0x3F98];
	s0 =	simm.s32 @p0 $0x1  }
0x13: {  	[smem:$0x3FB3] =	sst s0;
	s0 =	simm.s32 @!p1 $0x0  }
0x14: {  	s2 =	sld [smem:$0x3F97];
	s0 =	simm.s32 @p1 $0x1  }
0x15: {  	[smem:$0x3FB4] =	sst s0;
	s0 =	simm.s32 @!p2 $0x0  }
0x16: {  	s3 =	sld [smem:$0x3FDB];
	s0 =	simm.s32 @p2 $0x1  }
0x17: {  	s4 =	simm.s32 $0x1BF5;
	[smem:$0x3FB6] =	sst s0  }
0x18: {  	s0 =	sld [smem:$0x3F99];
	_ =	swait.ge [sflag:s4], $0x0  }
0x19: {  	s7 =	sld [smem:$0x3F9A]  }
0x1a: {  	s8 =	sadd.s32 $0xFFFFE003, lr  }
0x1b: {  	s9 =	sadd.s32 $0xFFFFFEF7, lr;
	s5 =	simm.s32 $0xFFFFFFFF;
	p2 =	slt.u32 s8, $0xFFFFF086  }
0x1c: {  	p1 =	slt.u32 s9, $0xF7A;
	s5 =	simm.s32 @!p2 $0x0  }
0x1d: {  	s5 =	simm.s32 @p1 $0x1;
	p0 =	seq.s32 s7, s2  }
0x1e: {  	s7 =	smul.u32 @!p0 $0xF7A, s2;
	p2 =	seq.s32 @!p0 s5, $0x0  }
0x1f: {  	s9 =	smul.u32 $0xF7A, s1;
	s8 =	simm.s32 @!p0 $0x1BF5;
	p2 =	por !p2, p0  }
0x20: {  	[sflag:s8] =	ssyncset.s32 @!p0 $0xFFFFF086;
	s6 =	sadd.s32 @!p0 s3, s7;
	s7 =	simm.s32 @!p0 $0x108  }
0x21: {  	s3 =	sadd.s32 s3, s9;
	s6 =	sadd.s32 @!p0 $0x88, s6;
	s7 =	simm.s32 @p2 $0x1082  }
0x22: {  	[simem:s7], [sflag:s8] =	dma.local @!p0 [hbm:s6], $0xF7A  }
0x23: {  	s9 =	sor.u32 $0xD0000000, s2;
	s6 =	simm.s32 $0x108;
	_ =	swait.ge @!p0 [sflag:s8], $0x0  }
0x24: {  	s3 =	sadd.s32 $0x88, s3;
	s6 =	simm.s32 @!p1 $0x1082;
	[sflag:s4] =	ssyncset.s32 $0xFFFFF086  }
0x25: {  	[simem:s6], [sflag:s4] =	dma.local [hbm:s3], $0xF7A  }
0x26: {  	[smem:$0x3F9A] =	sst s1;
	(tag) =	ssettag s2;
	_ =	strace s9  }
0x27: {  	s1 =	sld [smem:$0x3FAA]  }
0x28: {  	s2 =	sld [smem:$0x3FAB]  }
0x29: {  	s4 =	sld [smem:$0x3FAD]  }
0x2a: {  	p0 =	seq.s32 s5, $0x0;
	s5 =	sld [smem:$0x3FAE]  }
0x2b: {  	s6 =	sld [smem:$0x3FAF]  }
0x2c: {  	s7 =	sld [smem:$0x3FB0]  }
0x2d: {  	s3 =	simm.s32 $0x108;
	s8 =	sld [smem:$0x3FB1]  }
0x2e: {  	s3 =	simm.s32 @!p0 $0x1082;
	s9 =	sld [smem:$0x3FB2]  }
0x2f: {  	lr =	sadd.s32 s0, s3;
	s0 =	sld [smem:$0x3FA9]  }
0x30: {  	s3 =	sld [smem:$0x3FAC]  }
0x31: {  	[smem:$0x3FB5] =	sst s10  }
0x32: {  	s10 =	sld [smem:$0x3FB3];
	_ =	sdelay $0x3  }
0x33: {  	p0 =	seq.s32 s10, $0x1;
	s10 =	sld [smem:$0x3FB5];
	_ =	sdelay $0x3  }
0x34: {  	[smem:$0x3FB5] =	sst s10  }
0x35: {  	s10 =	sld [smem:$0x3FB4];
	_ =	sdelay $0x3  }
0x36: {  	p1 =	seq.s32 s10, $0x1;
	s10 =	sld [smem:$0x3FB5];
	_ =	sdelay $0x3  }
0x37: {  	[smem:$0x3FB5] =	sst s10  }
0x38: {  	s10 =	sld [smem:$0x3FB6]  }
0x39: {  	_ = 	snop;
	(pc) =	sbr.ind lr, $3  }
0x3a: {  	_ = 	snop  }
0x3b: {  	_ = 	snop  }
0x3c: {  	p2 =	seq.s32 s10, $0x1;
	s10 =	sld [smem:$0x3FB5]  }
0x3d: {  	_ =	shalt  }
0x3e: {  	_ =	shalt  }
0x3f: {  	_ =	shalt  }
0x40: {  	_ =	shalt  }
0x41: {  	_ =	shalt  }
0x42: {  	_ =	shalt  }
0x43: {  	_ =	shalt  }
0x44: {  	_ =	shalt  }
0x45: {  	_ =	shalt  }
0x46: {  	_ =	shalt  }
0x47: {  	_ =	shalt  }
0x48: {  	_ =	shalt  }
0x49: {  	_ =	shalt  }
0x4a: {  	_ =	shalt  }
0x4b: {  	_ =	shalt  }
0x4c: {  	_ =	shalt  }
0x4d: {  	_ =	shalt  }
0x4e: {  	_ =	shalt  }
0x4f: {  	_ =	shalt  }
0x50: {  	_ =	shalt  }
0x51: {  	_ =	shalt  }
0x52: {  	_ =	shalt  }
0x53: {  	_ =	shalt  }
0x54: {  	_ =	shalt  }
0x55: {  	_ =	shalt  }
0x56: {  	_ =	shalt  }
0x57: {  	_ =	shalt  }
0x58: {  	_ =	shalt  }
0x59: {  	_ =	shalt  }
0x5a: {  	_ =	shalt  }
0x5b: {  	_ =	shalt  }
0x5c: {  	_ =	shalt  }
0x5d: {  	_ =	shalt  }
0x5e: {  	_ =	shalt  }
0x5f: {  	_ =	shalt  }
0x60: {  	_ =	shalt  }
0x61: {  	_ =	shalt  }
0x62: {  	_ =	shalt  }
0x63: {  	_ =	shalt  }
0x64: {  	_ =	shalt  }
0x65: {  	_ =	shalt  }
0x66: {  	_ =	shalt  }
0x67: {  	_ =	shalt  }
0x68: {  	_ =	shalt  }
0x69: {  	_ =	shalt  }
0x6a: {  	_ =	shalt  }
0x6b: {  	_ =	shalt  }
0x6c: {  	_ =	shalt  }
0x6d: {  	_ =	shalt  }
0x6e: {  	_ =	shalt  }
0x6f: {  	_ =	shalt  }
0x70: {  	_ =	shalt  }
0x71: {  	_ =	shalt  }
0x72: {  	_ =	shalt  }
0x73: {  	_ =	shalt  }
0x74: {  	_ =	shalt  }
0x75: {  	_ =	shalt  }
0x76: {  	_ =	shalt  }
0x77: {  	_ =	shalt  }
0x78: {  	_ =	shalt  }
0x79: {  	_ =	shalt  }
0x7a: {  	_ =	shalt  }
0x7b: {  	_ =	shalt  }
0x7c: {  	_ =	shalt  }
0x7d: {  	_ =	shalt  }
0x7e: {  	_ =	shalt  }
0x7f: {  	_ =	shalt  }
0x80: {  	_ =	shalt  }
0x81: {  	_ =	shalt  }
0x82: {  	_ =	shalt  }
0x83: {  	_ =	shalt  }
0x84: {  	_ =	shalt  }
0x85: {  	_ =	shalt  }
0x86: {  	_ =	shalt  }
0x87: {  	_ =	shalt  }
.Lfunc_end0:
.L_simem_size_0:
called_computation_lowered:
.L_overlay_start_0:
0x88: {  	s2 =	sld [smem:$0x3FD9]  }
0x89: {  	s3 =	sld [smem:$0x3FFE];
	_ =	sdelay $0x1  }
0x8a: {  	s1 =	srdreg.scid  }
0x8b: {  	s0 =	sand.u32 $0x1, s1  }
0x8c: {  	s14 =	sshll.u32 s0, $0xA;
	s2 =	sadd.s32 s3, s2  }
0x8d: {  	s2 =	sadd.s32 s2, s14  }
0x8e: {  	[smem:$0x3FC1] =	sst s2  }
0x8f: {  	_ = 	snop  }
0x90: {  	s2 =	sld [smem:$0x3FD0];
	_ =	sdelay $0x2  }
0x91: {  	s4 =	simm.s32 $0xA;
	s5 =	simm.s32 $0x10;
	s15 =	sld [smem:$0x3FC8]  }
0x92: {  	[smem:s5], [sflag:s4] =	dma.local [hbm:s2], $0x1  }
0x93: {  	_ =	swait.eq [sflag:s4], $0x1  }
0x94: {  	[sflag:s4] =	ssyncset.done $0x0  }
0x95: {  	[sflag:s4] =	ssyncadd.s32 $0xFFFFFFFF  }
0x96: {  	s16 =	sld [smem:$0x10];
	(tm) =	ssettm $0x1  }
0x97: {  	s17 =	sld [smem:$0x3FFB];
	_ =	sdelay $0x3  }
0x98: {  	_ =	strace s17  }
0x99: {  	s4 =	sld [smem:$0x3FFC];
	_ =	sdelay $0x3  }
0x9a: {  	_ =	strace s4  }
0x9b: {  	s4 =	sld [smem:$0x3FFD];
	_ =	sdelay $0x3  }
0x9c: {  	_ =	strace s4  }
0x9d: {  	_ =	strace $0x8FFFFFFF  }
0x9e: {  	s18 =	sld [smem:$0x3FDB];
	_ =	sdelay $0x1  }
0x9f: {  	s19 =	simm.s32 $_scs_section_size  }
0xa0: {  	s6 =	simm.s32 $_size__tile_overlayer_lowered;
	s7 =	simm.s32 $_tile_overlayer_lowered  }
0xa1: {  	s22 =	simm.s32 $0x1BFF;
	s21 =	sshll.u32 s7, $0x1;
	s4 =	sadd.s32 s19, s18  }
0xa2: {  	s8 =	simm.s32 $0x0;
	s20 =	sshll.u32 s6, $0x1;
	s6 =	sadd.s32 s21, s4  }
0xa3: {  	[timem:s8], [sflag:s22] =	dma.local [hbm:s6], s20  }
0xa4: {  	_ =	swait.ge [sflag:s22], s20  }
0xa5: {  	s5 =	ssub.s32 $0x0, s20;
	[sflag:s22] =	ssyncset.done $0x0  }
0xa6: {  	[sflag:s22] =	ssyncadd.s32 s5;
	_ =	sdelay $0x1  }
0xa7: {  	s23 =	simm.s32 $0x1B8B  }
0xa8: {  	_ =	swait.ge [sflag:s23], $0x1  }
0xa9: {  	[sflag:s23] =	ssyncset.done $0x0  }
0xaa: {  	s25 =	simm.s32 $0x1B8E;
	s24 =	sld [smem:$0x3FFE];
	[sflag:s23] =	ssyncadd.s32 $0xFFFFFFFF  }
0xab: {  	s26 =	simm.s32 $execute0_lowered;
	[smem:$0x3FD2] =	sst s25  }
0xac: {  	s6 =	sshll.u32 s26, $0x1;
	_ =	strace $0x80000046;
	[dreg:$0x1] =	wrdreg $0xFFFFFFFF  }
0xad: {  	s28 =	simm.s32 $_size_execute0_lowered;
	s4 =	sadd.s32 s4, s6;
	[dreg:$0x0] =	wrdreg $0x0  }
0xae: {  	s6 =	sshll.u32 s28, $0x1;
	[dreg:$0x2] =	wrdreg s4  }
0xaf: {  	[dreg:$0x3] =	wrdreg s6  }
0xb0: {  	[dreg:$0x4] =	wrdreg $0xC0  }
0xb1: {  	_ =	task [dreg:s8], $0x5FFFF  }
0xb2: {  	[dreg:$0x1] =	wrdreg $0xFFFFFFFF  }
0xb3: {  	[dreg:$0x0] =	wrdreg $0x60  }
0xb4: {  	[dreg:$0x2] =	wrdreg s15  }
0xb5: {  	[dreg:$0x3] =	wrdreg s16  }
0xb6: {  	[dreg:$0x4] =	wrdreg s24  }
0xb7: {  	[dreg:$0x5] =	wrdreg $0x9  }
0xb8: {  	_ =	task.clear_ibuf [dreg:s8], $0x6FFFF;
	_ =	strace $0x90000046  }
0xb9: {  	s29 =	simm.s32 $0x9;
	_ =	strace $0x80000048  }
0xba: {  	_ =	swait.ge [sflag:s29], $0x1  }
0xbb: {  	[sflag:s29] =	ssyncadd.s32 $0xFFFFFFFF  }
0xbc: {  	_ =	strace $0x90000048  }
0xbd: {  	_ =	sfence  }
0xbe: {  	s30 =	sld [smem:$0x0];
	_ =	sdelay $0x2  }
0xbf: {  	s31 =	sshll.u32 s1, $0xD;
	s1 =	sshrl.u32 s1, $0x2  }
0xc0: {  	s3 =	sand.u32 $0x4000, s31;
	s1 =	sadd.s32 s1, s30  }
0xc1: {  	s0 =	sor.u32 s3, s0;
	s1 =	sshll.u32 s1, $0x11  }
0xc2: {  	s0 =	sor.u32 s1, s0  }
0xc3: {  	s0 =	sadd.s32 $0x8F2B, s0  }
0xc4: {  	[sflag:s0] =	ssyncadd.remote.s32 $0x1  }
0xc5: {  	_ =	sfence.sel $0xFFFF  }
0xc6: {  	[dreg:$0x0] =	wrdreg $0xFFFFFFFF;
	(pc) =	sbr.abs _section_cstart, $3  }
0xc7: {  	[dreg:$0x1] =	wrdreg $0xFFFFFFFF  }
0xc8: {  	_ =	task.clear_ibuf [dreg:s8], $0x2FFFF;
	_ =	strace $0x9FFFFFFF  }
0xc9: {  	(tm) =	ssettm $0x7FFFFFFF  }
tec
execute0_lowered:
.L_overlay_start_1:
0x0: {  	(tag) =	ssettag $0x1  }
0x1: {  	s1 =	rddreg [dreg:$0x0];
	s2 =	srdreg.scid  }
0x2: {  	s4 =	rddreg [dreg:$0x1];
	s0 =	stileid.u32;
	s6 =	sand.u32 $0x1, s2  }
0x3: {  	s10 =	rddreg [dreg:$0x2];
	s5 =	sshll.u32 s0, $0x4;
	s7 =	sshll.u32 s6, $0x3  }
0x4: {  	s3 =	simm.s32 $0x0;
	s2 =	rddreg [dreg:$0x3];
	s11 =	sor.u32 s7, s5  }
0x5: {  	[smem:$0x7FF] =	sst s3;
	s5 =	sshrl.u32 s11, $0x3  }
0x6: {  	_ =	strace $0x80000047;
	s5 =	sadd.s32 s4, s5;
	s4 =	simm.s32 $0x2  }
0x7: {  	[tilespmem:s3], [sflag:$0x2] =	stream.linear.gather [hbm4b:s5+s3], $0x8, $0x38;
	[tilespmem:$0x1080] =	vst v63  }
0x8: {  	_ =	swait.ge [sflag:s4], $0x8  }
0x9: {  	[sflag:s4] =	ssyncset.done $0x0  }
0xa: {  	[sflag:s4] =	ssyncadd.s32 $0xFFFFFFF8  }
0xb: {  	v0 =	vld.msk [tilespmem:$0x0], $0xff;
	_ =	sdelay $0x4  }
0xc: {  	v1 =	vshll.u32 v0, $0x2  }
0xd: {  	v2 =	vlaneseq.u32;
	v3 =	vand.u32 $0x7, v0;
	v1 =	vand.u32 $0xFFFFFFE0, v1  }
0xe: {  	v0 =	vand.u32 $0x7, v2;
	v2 =	vshrl.u32 v2, $0x3;
	v3 =	vor.u32 v3, v1  }
0xf: {  	v1 =	vmul.u32 $0x8, v2;
	v2 =	vperm.xlane v3, v0;
	_ =	sdelay $0x1  }
0x10: {  	v2 =	vadd.s32 v1, v2;
	_ =	sdelay $0x1  }
0x11: {  	s12 =	ssub.s32 $0x2, s6  }
0x12: {  	s8 =	simm.s32 $0x880;
	s9 =	simm.s32 $0x1;
	s13 =	sshrl.u32 s12, $0x1  }
0x13: {  	vm0 =	vmmov $0xffff;
	s6 =	simm.s32 $0x80;
	s11 =	sshll.u32 s11, $0x6;
	s31 =	ssub.s32 s12, s13  }
0x14: {  	[tilespmem:s6], [sflag:$0x1] =	stream.indirect_vreg.gather [hbm4b:s1+s3], $0x80, v2, vm0, $0xb8;
	[tilespmem:$0x1080] =	vst v63  }
0x15: {  	s7 =	sadd.s32 $0x100, s1;
	s10 =	sadd.s32 s11, s10;
	s11 =	smax.u32 s31, $0x1  }
0x16: {  	[tilespmem:s8], [sflag:$0x1] =	stream.indirect_vreg.gather [hbm4b:s7+s3], $0x80, v2, vm0, $0xb8;
	[tilespmem:$0x1080] =	vst v63  }
0x17: {  	p0 =	sne.s32 s11, $0x1;
	_ =	swait.ge [sflag:s9], $0x1000  }
.Ltmp0:
0x18: {  	[sflag:s9] =	ssyncset.done $0x0;
	(pc) =	sbr.rel @!p0 .LBB2_2-.Ltmp0, $4  }
0x19: {  	s10 =	sadd.s32 $0x1800, s10;
	[sflag:s9] =	ssyncadd.s32 $0xFFFFF000  }
0x1a: {  	[hbm4b:s10+s3] =	stream.linear.scatter [tilespmem:s6], [sflag:$0x2], $0x1000, $0x38;
	[tilespmem:$0x1080] =	vst v63  }
0x1b: {  	_ =	swait.ge [sflag:s4], $0x1000  }
0x1c: {  	s11 =	sadd.s32 $0xFFFFFFFF, s11;
	[sflag:s4] =	ssyncset.done $0x0  }
.LBB2_1:
0x1d: {  	p0 =	sne.s32 s11, $0x1;
	s11 =	sadd.s32 $0xFFFFFFFF, s11;
	[sflag:s4] =	ssyncadd.s32 $0xFFFFF000  }
0x1e: {  	[tilespmem:s3], [sflag:$0x2] =	stream.linear.gather [hbm4b:s5+s3], $0x8, $0x38;
	[tilespmem:$0x1080] =	vst v63  }
0x1f: {  	_ =	swait.ge [sflag:s4], $0x8  }
0x20: {  	[sflag:s4] =	ssyncset.done $0x0  }
0x21: {  	[sflag:s4] =	ssyncadd.s32 $0xFFFFFFF8  }
0x22: {  	v2 =	vld.msk [tilespmem:$0x0], $0xff;
	_ =	sdelay $0x4  }
0x23: {  	v3 =	vshll.u32 v2, $0x2  }
0x24: {  	v2 =	vand.u32 $0x7, v2;
	v3 =	vand.u32 $0xFFFFFFE0, v3  }
0x25: {  	v2 =	vor.u32 v2, v3  }
0x26: {  	v2 =	vperm.xlane v2, v0;
	_ =	sdelay $0x1  }
0x27: {  	v2 =	vadd.s32 v1, v2;
	_ =	sdelay $0x4  }
0x28: {  	[tilespmem:s6], [sflag:$0x1] =	stream.indirect_vreg.gather [hbm4b:s1+s3], $0x80, v2, vm0, $0xb8;
	[tilespmem:$0x1080] =	vst v63  }
0x29: {  	_ = 	snop  }
0x2a: {  	[tilespmem:s8], [sflag:$0x1] =	stream.indirect_vreg.gather [hbm4b:s7+s3], $0x80, v2, vm0, $0xb8;
	[tilespmem:$0x1080] =	vst v63  }
0x2b: {  	_ =	swait.ge [sflag:s9], $0x1000  }
.Ltmp1:
0x2c: {  	[sflag:s9] =	ssyncset.done $0x0;
	(pc) =	sbr.rel @p0 .LBB2_1-.Ltmp1, $4  }
0x2d: {  	[sflag:s9] =	ssyncadd.s32 $0xFFFFF000  }
0x2e: {  	[hbm4b:s10+s3] =	stream.linear.scatter [tilespmem:s6], [sflag:$0x2], $0x1000, $0x38;
	[tilespmem:$0x1080] =	vst v63  }
0x2f: {  	_ =	swait.ge [sflag:s4], $0x1000  }
0x30: {  	[sflag:s4] =	ssyncset.done $0x0  }
.LBB2_2:
0x31: {  	[sflag:s4] =	ssyncadd.s32 $0xFFFFF000  }
0x32: {  	_ =	sfence.sel $0x180000  }
0x33: {  	[bflag:$0x0] =	sbarrier.arrive $0xFFFF  }
0x34: {  	p0 =	sne.s32 s0, $0x0;
	_ =	strace $0x90000047  }
0x35: {  	s0 =	sadd.s32 @!p0 $0x100000, s2;
	[bflag:$0x2] =	sbarrier.arrive $0xFFFF  }
0x36: {  	[sflag:s0] =	ssyncadd.tile.s32 @!p0 $0x1;
	_ =	shalt  }
.Lfunc_end2:
_tile_overlayer_lowered:
.L_overlay_start_2:
0x37: {  	(tag) =	ssettag $0x2  }
0x38: {  	s0 =	rddreg [dreg:$0x0];
	s2 =	stileid.u32  }
0x39: {  	s1 =	rddreg [dreg:$0x1];
	p0 =	sne.s32 s2, $0x0  }
0x3a: {  	s3 =	rddreg [dreg:$0x2];
	[bflag:$0x3] =	sbarrier.arrive $0xFFFF;
	s2 =	simm.s32 @!p0 $0x1C02  }
0x3b: {  	[timem:s3], [sflag:s2] =	dma.local @!p0 [hbm:s0], s1  }
0x3c: {  	s0 =	simm.s32 @!p0 $0x2  }
0x3d: {  	_ =	swait.ge @!p0 [sflag:s0], s1  }
0x3e: {  	s1 =	ssub.s32 @!p0 $0x0, s1;
	[sflag:s0] =	ssyncset.done @!p0 $0x0  }
0x3f: {  	[sflag:s0] =	ssyncadd.s32 @!p0 s1  }
0x40: {  	[bflag:$0x3] =	sbarrier.arrive $0xFFFF  }
0x41: {  	_ =	shalt  }

// kernel: kernel.13.cloned.1.call-start
scs
__scs_entry_jumppad:
0x0: {  	(pc) =	sbr.rel $0x88, $3  }
0x1: {  	(tag) =	ssettag $0x0;
	lr =	simm.s32 $0x1  }
0x2: {  	[smem:$0x3F9A] =	sst lr;
	_ =	strace $0xD0000000  }
0x3: {  	_ = 	snop  }
0x4: {  	_ = 	snop  }
0x5: {  	_ = 	snop  }
0x6: {  	_ = 	snop  }
0x7: {  	_ = 	snop  }
__scs_overlays_trampoline_lowered:
0x8: {  	[smem:$0x3FA9] =	sst s0  }
0x9: {  	[smem:$0x3FAA] =	sst s1  }
0xa: {  	[smem:$0x3FAB] =	sst s2  }
0xb: {  	[smem:$0x3FAC] =	sst s3  }
0xc: {  	[smem:$0x3FAD] =	sst s4  }
0xd: {  	[smem:$0x3FAE] =	sst s5  }
0xe: {  	[smem:$0x3FAF] =	sst s6  }
0xf: {  	[smem:$0x3FB0] =	sst s7  }
0x10: {  	[smem:$0x3FB1] =	sst s8  }
0x11: {  	[smem:$0x3FB2] =	sst s9;
	s0 =	simm.s32 @!p0 $0x0  }
0x12: {  	s1 =	sld [smem:$0x3F98];
	s0 =	simm.s32 @p0 $0x1  }
0x13: {  	[smem:$0x3FB3] =	sst s0;
	s0 =	simm.s32 @!p1 $0x0  }
0x14: {  	s2 =	sld [smem:$0x3F97];
	s0 =	simm.s32 @p1 $0x1  }
0x15: {  	[smem:$0x3FB4] =	sst s0;
	s0 =	simm.s32 @!p2 $0x0  }
0x16: {  	s3 =	sld [smem:$0x3FDB];
	s0 =	simm.s32 @p2 $0x1  }
0x17: {  	s4 =	simm.s32 $0x1BF5;
	[smem:$0x3FB6] =	sst s0  }
0x18: {  	s0 =	sld [smem:$0x3F99];
	_ =	swait.ge [sflag:s4], $0x0  }
0x19: {  	s7 =	sld [smem:$0x3F9A]  }
0x1a: {  	s8 =	sadd.s32 $0xFFFFE003, lr  }
0x1b: {  	s9 =	sadd.s32 $0xFFFFFEF7, lr;
	s5 =	simm.s32 $0xFFFFFFFF;
	p2 =	slt.u32 s8, $0xFFFFF086  }
0x1c: {  	p1 =	slt.u32 s9, $0xF7A;
	s5 =	simm.s32 @!p2 $0x0  }
0x1d: {  	s5 =	simm.s32 @p1 $0x1;
	p0 =	seq.s32 s7, s2  }
0x1e: {  	s7 =	smul.u32 @!p0 $0xF7A, s2;
	p2 =	seq.s32 @!p0 s5, $0x0  }
0x1f: {  	s9 =	smul.u32 $0xF7A, s1;
	s8 =	simm.s32 @!p0 $0x1BF5;
	p2 =	por !p2, p0  }
0x20: {  	[sflag:s8] =	ssyncset.s32 @!p0 $0xFFFFF086;
	s6 =	sadd.s32 @!p0 s3, s7;
	s7 =	simm.s32 @!p0 $0x108  }
0x21: {  	s3 =	sadd.s32 s3, s9;
	s6 =	sadd.s32 @!p0 $0x88, s6;
	s7 =	simm.s32 @p2 $0x1082  }
0x22: {  	[simem:s7], [sflag:s8] =	dma.local @!p0 [hbm:s6], $0xF7A  }
0x23: {  	s9 =	sor.u32 $0xD0000000, s2;
	s6 =	simm.s32 $0x108;
	_ =	swait.ge @!p0 [sflag:s8], $0x0  }
0x24: {  	s3 =	sadd.s32 $0x88, s3;
	s6 =	simm.s32 @!p1 $0x1082;
	[sflag:s4] =	ssyncset.s32 $0xFFFFF086  }
0x25: {  	[simem:s6], [sflag:s4] =	dma.local [hbm:s3], $0xF7A  }
0x26: {  	[smem:$0x3F9A] =	sst s1;
	(tag) =	ssettag s2;
	_ =	strace s9  }
0x27: {  	s1 =	sld [smem:$0x3FAA]  }
0x28: {  	s2 =	sld [smem:$0x3FAB]  }
0x29: {  	s4 =	sld [smem:$0x3FAD]  }
0x2a: {  	p0 =	seq.s32 s5, $0x0;
	s5 =	sld [smem:$0x3FAE]  }
0x2b: {  	s6 =	sld [smem:$0x3FAF]  }
0x2c: {  	s7 =	sld [smem:$0x3FB0]  }
0x2d: {  	s3 =	simm.s32 $0x108;
	s8 =	sld [smem:$0x3FB1]  }
0x2e: {  	s3 =	simm.s32 @!p0 $0x1082;
	s9 =	sld [smem:$0x3FB2]  }
0x2f: {  	lr =	sadd.s32 s0, s3;
	s0 =	sld [smem:$0x3FA9]  }
0x30: {  	s3 =	sld [smem:$0x3FAC]  }
0x31: {  	[smem:$0x3FB5] =	sst s10  }
0x32: {  	s10 =	sld [smem:$0x3FB3];
	_ =	sdelay $0x3  }
0x33: {  	p0 =	seq.s32 s10, $0x1;
	s10 =	sld [smem:$0x3FB5];
	_ =	sdelay $0x3  }
0x34: {  	[smem:$0x3FB5] =	sst s10  }
0x35: {  	s10 =	sld [smem:$0x3FB4];
	_ =	sdelay $0x3  }
0x36: {  	p1 =	seq.s32 s10, $0x1;
	s10 =	sld [smem:$0x3FB5];
	_ =	sdelay $0x3  }
0x37: {  	[smem:$0x3FB5] =	sst s10  }
0x38: {  	s10 =	sld [smem:$0x3FB6]  }
0x39: {  	_ = 	snop;
	(pc) =	sbr.ind lr, $3  }
0x3a: {  	_ = 	snop  }
0x3b: {  	_ = 	snop  }
0x3c: {  	p2 =	seq.s32 s10, $0x1;
	s10 =	sld [smem:$0x3FB5]  }
0x3d: {  	_ =	shalt  }
0x3e: {  	_ =	shalt  }
0x3f: {  	_ =	shalt  }
0x40: {  	_ =	shalt  }
0x41: {  	_ =	shalt  }
0x42: {  	_ =	shalt  }
0x43: {  	_ =	shalt  }
0x44: {  	_ =	shalt  }
0x45: {  	_ =	shalt  }
0x46: {  	_ =	shalt  }
0x47: {  	_ =	shalt  }
0x48: {  	_ =	shalt  }
0x49: {  	_ =	shalt  }
0x4a: {  	_ =	shalt  }
0x4b: {  	_ =	shalt  }
0x4c: {  	_ =	shalt  }
0x4d: {  	_ =	shalt  }
0x4e: {  	_ =	shalt  }
0x4f: {  	_ =	shalt  }
0x50: {  	_ =	shalt  }
0x51: {  	_ =	shalt  }
0x52: {  	_ =	shalt  }
0x53: {  	_ =	shalt  }
0x54: {  	_ =	shalt  }
0x55: {  	_ =	shalt  }
0x56: {  	_ =	shalt  }
0x57: {  	_ =	shalt  }
0x58: {  	_ =	shalt  }
0x59: {  	_ =	shalt  }
0x5a: {  	_ =	shalt  }
0x5b: {  	_ =	shalt  }
0x5c: {  	_ =	shalt  }
0x5d: {  	_ =	shalt  }
0x5e: {  	_ =	shalt  }
0x5f: {  	_ =	shalt  }
0x60: {  	_ =	shalt  }
0x61: {  	_ =	shalt  }
0x62: {  	_ =	shalt  }
0x63: {  	_ =	shalt  }
0x64: {  	_ =	shalt  }
0x65: {  	_ =	shalt  }
0x66: {  	_ =	shalt  }
0x67: {  	_ =	shalt  }
0x68: {  	_ =	shalt  }
0x69: {  	_ =	shalt  }
0x6a: {  	_ =	shalt  }
0x6b: {  	_ =	shalt  }
0x6c: {  	_ =	shalt  }
0x6d: {  	_ =	shalt  }
0x6e: {  	_ =	shalt  }
0x6f: {  	_ =	shalt  }
0x70: {  	_ =	shalt  }
0x71: {  	_ =	shalt  }
0x72: {  	_ =	shalt  }
0x73: {  	_ =	shalt  }
0x74: {  	_ =	shalt  }
0x75: {  	_ =	shalt  }
0x76: {  	_ =	shalt  }
0x77: {  	_ =	shalt  }
0x78: {  	_ =	shalt  }
0x79: {  	_ =	shalt  }
0x7a: {  	_ =	shalt  }
0x7b: {  	_ =	shalt  }
0x7c: {  	_ =	shalt  }
0x7d: {  	_ =	shalt  }
0x7e: {  	_ =	shalt  }
0x7f: {  	_ =	shalt  }
0x80: {  	_ =	shalt  }
0x81: {  	_ =	shalt  }
0x82: {  	_ =	shalt  }
0x83: {  	_ =	shalt  }
0x84: {  	_ =	shalt  }
0x85: {  	_ =	shalt  }
0x86: {  	_ =	shalt  }
0x87: {  	_ =	shalt  }
.Lfunc_end0:
.L_simem_size_0:
called_computation.1_lowered:
.L_overlay_start_0:
0x88: {  	s2 =	sld [smem:$0x3FD9]  }
0x89: {  	s3 =	sld [smem:$0x3FFE];
	_ =	sdelay $0x1  }
0x8a: {  	s1 =	srdreg.scid  }
0x8b: {  	s0 =	sand.u32 $0x1, s1  }
0x8c: {  	s14 =	sshll.u32 s0, $0xA;
	s2 =	sadd.s32 s3, s2  }
0x8d: {  	s2 =	sadd.s32 s2, s14  }
0x8e: {  	[smem:$0x3FC1] =	sst s2  }
0x8f: {  	_ = 	snop  }
0x90: {  	s2 =	sld [smem:$0x3FD0];
	_ =	sdelay $0x2  }
0x91: {  	s15 =	simm.s32 $0xA;
	s4 =	simm.s32 $0x10  }
0x92: {  	[smem:s4], [sflag:s15] =	dma.local [hbm:s2], $0x1  }
0x93: {  	_ =	swait.eq [sflag:s15], $0x1  }
0x94: {  	[sflag:s15] =	ssyncset.done $0x0  }
0x95: {  	s16 =	sld [smem:$0x10];
	[sflag:s15] =	ssyncadd.s32 $0xFFFFFFFF  }
0x96: {  	s17 =	sld [smem:$0x11];
	(tm) =	ssettm $0x1  }
0x97: {  	s18 =	sld [smem:$0x3FFB];
	_ =	sdelay $0x3  }
0x98: {  	_ =	strace s18  }
0x99: {  	s4 =	sld [smem:$0x3FFC];
	_ =	sdelay $0x3  }
0x9a: {  	_ =	strace s4  }
0x9b: {  	s4 =	sld [smem:$0x3FFD];
	_ =	sdelay $0x3  }
0x9c: {  	_ =	strace s4  }
0x9d: {  	_ =	strace $0x8FFFFFFF  }
0x9e: {  	s19 =	sld [smem:$0x3FDB];
	_ =	sdelay $0x1  }
0x9f: {  	s5 =	simm.s32 $_scs_section_size  }
0xa0: {  	s6 =	simm.s32 $_size__tile_overlayer_lowered;
	s7 =	simm.s32 $_tile_overlayer_lowered  }
0xa1: {  	s22 =	simm.s32 $0x1BFF;
	s21 =	sshll.u32 s7, $0x1;
	s4 =	sadd.s32 s5, s19  }
0xa2: {  	s8 =	simm.s32 $0x0;
	s20 =	sshll.u32 s6, $0x1;
	s6 =	sadd.s32 s21, s4  }
0xa3: {  	[timem:s8], [sflag:s22] =	dma.local [hbm:s6], s20  }
0xa4: {  	_ =	swait.ge [sflag:s22], s20  }
0xa5: {  	s5 =	ssub.s32 $0x0, s20;
	[sflag:s22] =	ssyncset.done $0x0  }
0xa6: {  	[sflag:s22] =	ssyncadd.s32 s5;
	_ =	sdelay $0x1  }
0xa7: {  	s23 =	simm.s32 $0x1B8B  }
0xa8: {  	_ =	swait.ge [sflag:s23], $0x1  }
0xa9: {  	[sflag:s23] =	ssyncset.done $0x0  }
0xaa: {  	s25 =	simm.s32 $0x1B8E;
	s24 =	sld [smem:$0x3FFE];
	[sflag:s23] =	ssyncadd.s32 $0xFFFFFFFF  }
0xab: {  	s26 =	simm.s32 $execute0_lowered;
	[smem:$0x3FD2] =	sst s25  }
0xac: {  	s6 =	sshll.u32 s26, $0x1;
	_ =	strace $0x80000049;
	[dreg:$0x1] =	wrdreg $0xFFFFFFFF  }
0xad: {  	s28 =	simm.s32 $_size_execute0_lowered;
	s4 =	sadd.s32 s4, s6;
	[dreg:$0x0] =	wrdreg $0x0  }
0xae: {  	s6 =	sshll.u32 s28, $0x1;
	[dreg:$0x2] =	wrdreg s4  }
0xaf: {  	[dreg:$0x3] =	wrdreg s6  }
0xb0: {  	[dreg:$0x4] =	wrdreg $0xC0  }
0xb1: {  	_ =	task [dreg:s8], $0x5FFFF  }
0xb2: {  	[dreg:$0x1] =	wrdreg $0xFFFFFFFF  }
0xb3: {  	[dreg:$0x0] =	wrdreg $0x60  }
0xb4: {  	[dreg:$0x2] =	wrdreg s17  }
0xb5: {  	[dreg:$0x3] =	wrdreg s24  }
0xb6: {  	[dreg:$0x4] =	wrdreg s16  }
0xb7: {  	[dreg:$0x5] =	wrdreg $0x9  }
0xb8: {  	_ =	task.clear_ibuf [dreg:s8], $0x6FFFF;
	_ =	strace $0x90000049  }
0xb9: {  	s29 =	simm.s32 $0x9;
	_ =	strace $0x8000004B  }
0xba: {  	_ =	swait.ge [sflag:s29], $0x1  }
0xbb: {  	[sflag:s29] =	ssyncadd.s32 $0xFFFFFFFF  }
0xbc: {  	_ =	strace $0x9000004B  }
0xbd: {  	_ =	sfence  }
0xbe: {  	s30 =	sld [smem:$0x0];
	_ =	sdelay $0x2  }
0xbf: {  	s31 =	sshll.u32 s1, $0xD;
	s1 =	sshrl.u32 s1, $0x2  }
0xc0: {  	s3 =	sand.u32 $0x4000, s31;
	s1 =	sadd.s32 s1, s30  }
0xc1: {  	s0 =	sor.u32 s3, s0;
	s1 =	sshll.u32 s1, $0x11  }
0xc2: {  	s0 =	sor.u32 s1, s0  }
0xc3: {  	s0 =	sadd.s32 $0x8F2B, s0  }
0xc4: {  	[sflag:s0] =	ssyncadd.remote.s32 $0x1  }
0xc5: {  	_ =	sfence.sel $0xFFFF  }
0xc6: {  	[dreg:$0x0] =	wrdreg $0xFFFFFFFF;
	(pc) =	sbr.abs _section_cstart, $3  }
0xc7: {  	[dreg:$0x1] =	wrdreg $0xFFFFFFFF  }
0xc8: {  	_ =	task.clear_ibuf [dreg:s8], $0x2FFFF;
	_ =	strace $0x9FFFFFFF  }
0xc9: {  	(tm) =	ssettm $0x7FFFFFFF  }
tec
execute0_lowered:
.L_overlay_start_1:
0x0: {  	(tag) =	ssettag $0x1  }
0x1: {  	s2 =	srdreg.scid  }
0x2: {  	s1 =	rddreg [dreg:$0x0];
	s0 =	stileid.u32;
	s6 =	sand.u32 $0x1, s2  }
0x3: {  	s4 =	rddreg [dreg:$0x1];
	s30 =	sshll.u32 s0, $0x7;
	s3 =	sshll.u32 s6, $0x6  }
0x4: {  	s9 =	rddreg [dreg:$0x2];
	s10 =	sor.u32 s3, s30  }
0x5: {  	s2 =	rddreg [dreg:$0x3];
	s3 =	simm.s32 $0x0;
	s5 =	sshrl.u32 s10, $0x3  }
0x6: {  	s11 =	ssub.s32 $0x2, s6;
	[smem:$0x7FF] =	sst s3;
	s4 =	sadd.s32 s5, s4  }
0x7: {  	_ =	strace $0x8000004A;
	s5 =	sadd.s32 $0x18C800, s4;
	s4 =	simm.s32 $0x2  }
0x8: {  	[tilespmem:s3], [sflag:$0x2] =	stream.linear.gather [hbm4b:s5+s3], $0x40, $0x38;
	[tilespmem:$0x2080] =	vst v63  }
0x9: {  	s7 =	simm.s32 $0x80;
	s12 =	sshrl.u32 s11, $0x1;
	_ =	swait.ge [sflag:s4], $0x40  }
0xa: {  	s8 =	simm.s32 $0x1;
	s11 =	ssub.s32 s11, s12;
	[sflag:s4] =	ssyncset.done $0x0  }
0xb: {  	s6 =	simm.s32 $0x40;
	s31 =	smax.u32 s11, $0x1;
	[sflag:s4] =	ssyncadd.s32 $0xFFFFFFC0  }
0xc: {  	[tilespmem:s7], [sflag:$0x1] =	stream.indirect.gather [hbm4b:s1+s6], $0x80, s3, s6, $0xb8;
	[tilespmem:$0x2080] =	vst v63  }
0xd: {  	p0 =	sne.s32 s31, $0x1;
	_ =	swait.ge [sflag:s8], $0x2000  }
.Ltmp0:
0xe: {  	s10 =	sshll.u32 s10, $0x4;
	[sflag:s8] =	ssyncset.done $0x0;
	(pc) =	sbr.rel @!p0 .LBB2_2-.Ltmp0, $4  }
0xf: {  	s9 =	sadd.s32 s9, s10;
	[sflag:s8] =	ssyncadd.s32 $0xFFFFE000  }
0x10: {  	[hbm4b:s9+s3] =	stream.linear.scatter [tilespmem:s7], [sflag:$0x2], $0x2000, $0x38;
	[tilespmem:$0x2080] =	vst v63  }
0x11: {  	_ =	swait.ge [sflag:s4], $0x2000  }
0x12: {  	s10 =	sadd.s32 $0xFFFFFFFF, s31;
	[sflag:s4] =	ssyncset.done $0x0  }
.LBB2_1:
0x13: {  	p0 =	sne.s32 s10, $0x1;
	s10 =	sadd.s32 $0xFFFFFFFF, s10;
	[sflag:s4] =	ssyncadd.s32 $0xFFFFE000  }
0x14: {  	[tilespmem:s3], [sflag:$0x2] =	stream.linear.gather [hbm4b:s5+s3], $0x40, $0x38;
	[tilespmem:$0x2080] =	vst v63  }
0x15: {  	_ =	swait.ge [sflag:s4], $0x40  }
0x16: {  	[sflag:s4] =	ssyncset.done $0x0  }
0x17: {  	[sflag:s4] =	ssyncadd.s32 $0xFFFFFFC0  }
0x18: {  	[tilespmem:s7], [sflag:$0x1] =	stream.indirect.gather [hbm4b:s1+s6], $0x80, s3, s6, $0xb8;
	[tilespmem:$0x2080] =	vst v63  }
0x19: {  	_ =	swait.ge [sflag:s8], $0x2000  }
.Ltmp1:
0x1a: {  	[sflag:s8] =	ssyncset.done $0x0;
	(pc) =	sbr.rel @p0 .LBB2_1-.Ltmp1, $4  }
0x1b: {  	[sflag:s8] =	ssyncadd.s32 $0xFFFFE000  }
0x1c: {  	[hbm4b:s9+s3] =	stream.linear.scatter [tilespmem:s7], [sflag:$0x2], $0x2000, $0x38;
	[tilespmem:$0x2080] =	vst v63  }
0x1d: {  	_ =	swait.ge [sflag:s4], $0x2000  }
0x1e: {  	[sflag:s4] =	ssyncset.done $0x0  }
.LBB2_2:
0x1f: {  	[sflag:s4] =	ssyncadd.s32 $0xFFFFE000  }
0x20: {  	_ =	sfence.sel $0x180000  }
0x21: {  	[bflag:$0x0] =	sbarrier.arrive $0xFFFF  }
0x22: {  	p0 =	sne.s32 s0, $0x0;
	_ =	strace $0x9000004A  }
0x23: {  	s0 =	sadd.s32 @!p0 $0x100000, s2;
	[bflag:$0x2] =	sbarrier.arrive $0xFFFF  }
0x24: {  	[sflag:s0] =	ssyncadd.tile.s32 @!p0 $0x1;
	_ =	shalt  }
.Lfunc_end2:
_tile_overlayer_lowered:
.L_overlay_start_2:
0x25: {  	(tag) =	ssettag $0x2  }
0x26: {  	s0 =	rddreg [dreg:$0x0];
	s2 =	stileid.u32  }
0x27: {  	s1 =	rddreg [dreg:$0x1];
	p0 =	sne.s32 s2, $0x0  }
0x28: {  	s3 =	rddreg [dreg:$0x2];
	[bflag:$0x3] =	sbarrier.arrive $0xFFFF;
	s2 =	simm.s32 @!p0 $0x1C02  }
0x29: {  	[timem:s3], [sflag:s2] =	dma.local @!p0 [hbm:s0], s1  }
0x2a: {  	s0 =	simm.s32 @!p0 $0x2  }
0x2b: {  	_ =	swait.ge @!p0 [sflag:s0], s1  }
0x2c: {  	s1 =	ssub.s32 @!p0 $0x0, s1;
	[sflag:s0] =	ssyncset.done @!p0 $0x0  }
0x2d: {  	[sflag:s0] =	ssyncadd.s32 @!p0 s1  }
0x2e: {  	[bflag:$0x3] =	sbarrier.arrive $0xFFFF  }
0x2f: {  	_ =	shalt  }

// kernel: kernel.16.cloned.1.call-start
scs
__scs_entry_jumppad:
0x0: {  	(pc) =	sbr.rel $0x88, $3  }
0x1: {  	(tag) =	ssettag $0x0;
	lr =	simm.s32 $0x1  }
0x2: {  	[smem:$0x3F9A] =	sst lr;
	_ =	strace $0xD0000000  }
0x3: {  	_ = 	snop  }
0x4: {  	_ = 	snop  }
0x5: {  	_ = 	snop  }
0x6: {  	_ = 	snop  }
0x7: {  	_ = 	snop  }
__scs_overlays_trampoline_lowered:
0x8: {  	[smem:$0x3FA9] =	sst s0  }
0x9: {  	[smem:$0x3FAA] =	sst s1  }
0xa: {  	[smem:$0x3FAB] =	sst s2  }
0xb: {  	[smem:$0x3FAC] =	sst s3  }
0xc: {  	[smem:$0x3FAD] =	sst s4  }
0xd: {  	[smem:$0x3FAE] =	sst s5  }
0xe: {  	[smem:$0x3FAF] =	sst s6  }
0xf: {  	[smem:$0x3FB0] =	sst s7  }
0x10: {  	[smem:$0x3FB1] =	sst s8  }
0x11: {  	[smem:$0x3FB2] =	sst s9;
	s0 =	simm.s32 @!p0 $0x0  }
0x12: {  	s1 =	sld [smem:$0x3F98];
	s0 =	simm.s32 @p0 $0x1  }
0x13: {  	[smem:$0x3FB3] =	sst s0;
	s0 =	simm.s32 @!p1 $0x0  }
0x14: {  	s2 =	sld [smem:$0x3F97];
	s0 =	simm.s32 @p1 $0x1  }
0x15: {  	[smem:$0x3FB4] =	sst s0;
	s0 =	simm.s32 @!p2 $0x0  }
0x16: {  	s3 =	sld [smem:$0x3FDB];
	s0 =	simm.s32 @p2 $0x1  }
0x17: {  	s4 =	simm.s32 $0x1BF5;
	[smem:$0x3FB6] =	sst s0  }
0x18: {  	s0 =	sld [smem:$0x3F99];
	_ =	swait.ge [sflag:s4], $0x0  }
0x19: {  	s7 =	sld [smem:$0x3F9A]  }
0x1a: {  	s8 =	sadd.s32 $0xFFFFE003, lr  }
0x1b: {  	s9 =	sadd.s32 $0xFFFFFEF7, lr;
	s5 =	simm.s32 $0xFFFFFFFF;
	p2 =	slt.u32 s8, $0xFFFFF086  }
0x1c: {  	p1 =	slt.u32 s9, $0xF7A;
	s5 =	simm.s32 @!p2 $0x0  }
0x1d: {  	s5 =	simm.s32 @p1 $0x1;
	p0 =	seq.s32 s7, s2  }
0x1e: {  	s7 =	smul.u32 @!p0 $0xF7A, s2;
	p2 =	seq.s32 @!p0 s5, $0x0  }
0x1f: {  	s9 =	smul.u32 $0xF7A, s1;
	s8 =	simm.s32 @!p0 $0x1BF5;
	p2 =	por !p2, p0  }
0x20: {  	[sflag:s8] =	ssyncset.s32 @!p0 $0xFFFFF086;
	s6 =	sadd.s32 @!p0 s3, s7;
	s7 =	simm.s32 @!p0 $0x108  }
0x21: {  	s3 =	sadd.s32 s3, s9;
	s6 =	sadd.s32 @!p0 $0x88, s6;
	s7 =	simm.s32 @p2 $0x1082  }
0x22: {  	[simem:s7], [sflag:s8] =	dma.local @!p0 [hbm:s6], $0xF7A  }
0x23: {  	s9 =	sor.u32 $0xD0000000, s2;
	s6 =	simm.s32 $0x108;
	_ =	swait.ge @!p0 [sflag:s8], $0x0  }
0x24: {  	s3 =	sadd.s32 $0x88, s3;
	s6 =	simm.s32 @!p1 $0x1082;
	[sflag:s4] =	ssyncset.s32 $0xFFFFF086  }
0x25: {  	[simem:s6], [sflag:s4] =	dma.local [hbm:s3], $0xF7A  }
0x26: {  	[smem:$0x3F9A] =	sst s1;
	(tag) =	ssettag s2;
	_ =	strace s9  }
0x27: {  	s1 =	sld [smem:$0x3FAA]  }
0x28: {  	s2 =	sld [smem:$0x3FAB]  }
0x29: {  	s4 =	sld [smem:$0x3FAD]  }
0x2a: {  	p0 =	seq.s32 s5, $0x0;
	s5 =	sld [smem:$0x3FAE]  }
0x2b: {  	s6 =	sld [smem:$0x3FAF]  }
0x2c: {  	s7 =	sld [smem:$0x3FB0]  }
0x2d: {  	s3 =	simm.s32 $0x108;
	s8 =	sld [smem:$0x3FB1]  }
0x2e: {  	s3 =	simm.s32 @!p0 $0x1082;
	s9 =	sld [smem:$0x3FB2]  }
0x2f: {  	lr =	sadd.s32 s0, s3;
	s0 =	sld [smem:$0x3FA9]  }
0x30: {  	s3 =	sld [smem:$0x3FAC]  }
0x31: {  	[smem:$0x3FB5] =	sst s10  }
0x32: {  	s10 =	sld [smem:$0x3FB3];
	_ =	sdelay $0x3  }
0x33: {  	p0 =	seq.s32 s10, $0x1;
	s10 =	sld [smem:$0x3FB5];
	_ =	sdelay $0x3  }
0x34: {  	[smem:$0x3FB5] =	sst s10  }
0x35: {  	s10 =	sld [smem:$0x3FB4];
	_ =	sdelay $0x3  }
0x36: {  	p1 =	seq.s32 s10, $0x1;
	s10 =	sld [smem:$0x3FB5];
	_ =	sdelay $0x3  }
0x37: {  	[smem:$0x3FB5] =	sst s10  }
0x38: {  	s10 =	sld [smem:$0x3FB6]  }
0x39: {  	_ = 	snop;
	(pc) =	sbr.ind lr, $3  }
0x3a: {  	_ = 	snop  }
0x3b: {  	_ = 	snop  }
0x3c: {  	p2 =	seq.s32 s10, $0x1;
	s10 =	sld [smem:$0x3FB5]  }
0x3d: {  	_ =	shalt  }
0x3e: {  	_ =	shalt  }
0x3f: {  	_ =	shalt  }
0x40: {  	_ =	shalt  }
0x41: {  	_ =	shalt  }
0x42: {  	_ =	shalt  }
0x43: {  	_ =	shalt  }
0x44: {  	_ =	shalt  }
0x45: {  	_ =	shalt  }
0x46: {  	_ =	shalt  }
0x47: {  	_ =	shalt  }
0x48: {  	_ =	shalt  }
0x49: {  	_ =	shalt  }
0x4a: {  	_ =	shalt  }
0x4b: {  	_ =	shalt  }
0x4c: {  	_ =	shalt  }
0x4d: {  	_ =	shalt  }
0x4e: {  	_ =	shalt  }
0x4f: {  	_ =	shalt  }
0x50: {  	_ =	shalt  }
0x51: {  	_ =	shalt  }
0x52: {  	_ =	shalt  }
0x53: {  	_ =	shalt  }
0x54: {  	_ =	shalt  }
0x55: {  	_ =	shalt  }
0x56: {  	_ =	shalt  }
0x57: {  	_ =	shalt  }
0x58: {  	_ =	shalt  }
0x59: {  	_ =	shalt  }
0x5a: {  	_ =	shalt  }
0x5b: {  	_ =	shalt  }
0x5c: {  	_ =	shalt  }
0x5d: {  	_ =	shalt  }
0x5e: {  	_ =	shalt  }
0x5f: {  	_ =	shalt  }
0x60: {  	_ =	shalt  }
0x61: {  	_ =	shalt  }
0x62: {  	_ =	shalt  }
0x63: {  	_ =	shalt  }
0x64: {  	_ =	shalt  }
0x65: {  	_ =	shalt  }
0x66: {  	_ =	shalt  }
0x67: {  	_ =	shalt  }
0x68: {  	_ =	shalt  }
0x69: {  	_ =	shalt  }
0x6a: {  	_ =	shalt  }
0x6b: {  	_ =	shalt  }
0x6c: {  	_ =	shalt  }
0x6d: {  	_ =	shalt  }
0x6e: {  	_ =	shalt  }
0x6f: {  	_ =	shalt  }
0x70: {  	_ =	shalt  }
0x71: {  	_ =	shalt  }
0x72: {  	_ =	shalt  }
0x73: {  	_ =	shalt  }
0x74: {  	_ =	shalt  }
0x75: {  	_ =	shalt  }
0x76: {  	_ =	shalt  }
0x77: {  	_ =	shalt  }
0x78: {  	_ =	shalt  }
0x79: {  	_ =	shalt  }
0x7a: {  	_ =	shalt  }
0x7b: {  	_ =	shalt  }
0x7c: {  	_ =	shalt  }
0x7d: {  	_ =	shalt  }
0x7e: {  	_ =	shalt  }
0x7f: {  	_ =	shalt  }
0x80: {  	_ =	shalt  }
0x81: {  	_ =	shalt  }
0x82: {  	_ =	shalt  }
0x83: {  	_ =	shalt  }
0x84: {  	_ =	shalt  }
0x85: {  	_ =	shalt  }
0x86: {  	_ =	shalt  }
0x87: {  	_ =	shalt  }
.Lfunc_end0:
.L_simem_size_0:
called_computation.2_lowered:
.L_overlay_start_0:
0x88: {  	s2 =	sld [smem:$0x3FD9]  }
0x89: {  	s3 =	sld [smem:$0x3FFE];
	_ =	sdelay $0x1  }
0x8a: {  	s1 =	srdreg.scid  }
0x8b: {  	s0 =	sand.u32 $0x1, s1  }
0x8c: {  	s16 =	sshll.u32 s0, $0xA;
	s2 =	sadd.s32 s3, s2  }
0x8d: {  	s2 =	sadd.s32 s2, s16  }
0x8e: {  	[smem:$0x3FC1] =	sst s2  }
0x8f: {  	_ = 	snop  }
0x90: {  	(tm) =	ssettm $0x1  }
0x91: {  	s17 =	sld [smem:$0x3FFB];
	_ =	sdelay $0x3  }
0x92: {  	_ =	strace s17  }
0x93: {  	s2 =	sld [smem:$0x3FFC];
	_ =	sdelay $0x3  }
0x94: {  	_ =	strace s2  }
0x95: {  	s2 =	sld [smem:$0x3FFD];
	_ =	sdelay $0x3  }
0x96: {  	_ =	strace s2  }
0x97: {  	_ =	strace $0x8FFFFFFF  }
0x98: {  	s18 =	sld [smem:$0x3FDB];
	_ =	sdelay $0x1  }
0x99: {  	s19 =	simm.s32 $_scs_section_size  }
0x9a: {  	s4 =	simm.s32 $_size__tile_overlayer_lowered;
	s5 =	simm.s32 $_tile_overlayer_lowered  }
0x9b: {  	s22 =	simm.s32 $0x1BFF;
	s21 =	sshll.u32 s5, $0x1;
	s2 =	sadd.s32 s19, s18  }
0x9c: {  	s6 =	simm.s32 $0x0;
	s20 =	sshll.u32 s4, $0x1;
	s4 =	sadd.s32 s21, s2  }
0x9d: {  	[timem:s6], [sflag:s22] =	dma.local [hbm:s4], s20  }
0x9e: {  	_ =	swait.ge [sflag:s22], s20  }
0x9f: {  	s3 =	ssub.s32 $0x0, s20;
	[sflag:s22] =	ssyncset.done $0x0  }
0xa0: {  	[sflag:s22] =	ssyncadd.s32 s3;
	_ =	sdelay $0x1  }
0xa1: {  	s23 =	simm.s32 $0x1B8B  }
0xa2: {  	_ =	swait.ge [sflag:s23], $0x1  }
0xa3: {  	[sflag:s23] =	ssyncset.done $0x0  }
0xa4: {  	s25 =	simm.s32 $0x1B8E;
	s24 =	sld [smem:$0x3FFE];
	[sflag:s23] =	ssyncadd.s32 $0xFFFFFFFF  }
0xa5: {  	s26 =	simm.s32 $execute0_lowered;
	[smem:$0x3FD2] =	sst s25  }
0xa6: {  	s4 =	sshll.u32 s26, $0x1;
	_ =	strace $0x8000004C;
	[dreg:$0x1] =	wrdreg $0xFFFFFFFF  }
0xa7: {  	s28 =	simm.s32 $_size_execute0_lowered;
	s2 =	sadd.s32 s2, s4;
	[dreg:$0x0] =	wrdreg $0x0  }
0xa8: {  	s4 =	sshll.u32 s28, $0x1;
	[dreg:$0x2] =	wrdreg s2  }
0xa9: {  	[dreg:$0x3] =	wrdreg s4  }
0xaa: {  	[dreg:$0x4] =	wrdreg $0xC0  }
0xab: {  	_ =	task [dreg:s6], $0x5FFFF  }
0xac: {  	[dreg:$0x1] =	wrdreg $0xFFFFFFFF  }
0xad: {  	[dreg:$0x0] =	wrdreg $0x60  }
0xae: {  	[dreg:$0x2] =	wrdreg s24  }
0xaf: {  	[dreg:$0x3] =	wrdreg $0x9  }
0xb0: {  	_ =	task.clear_ibuf [dreg:s6], $0x4FFFF;
	_ =	strace $0x9000004C  }
0xb1: {  	s29 =	simm.s32 $0x9;
	_ =	strace $0x8000004E  }
0xb2: {  	_ =	swait.ge [sflag:s29], $0x1  }
0xb3: {  	[sflag:s29] =	ssyncadd.s32 $0xFFFFFFFF  }
0xb4: {  	_ =	strace $0x9000004E  }
0xb5: {  	_ =	sfence  }
0xb6: {  	s30 =	sld [smem:$0x0];
	_ =	sdelay $0x2  }
0xb7: {  	s31 =	sshll.u32 s1, $0xD;
	s1 =	sshrl.u32 s1, $0x2  }
0xb8: {  	s3 =	sand.u32 $0x4000, s31;
	s1 =	sadd.s32 s1, s30  }
0xb9: {  	s0 =	sor.u32 s3, s0;
	s1 =	sshll.u32 s1, $0x11  }
0xba: {  	s0 =	sor.u32 s1, s0  }
0xbb: {  	s0 =	sadd.s32 $0x8F2B, s0  }
0xbc: {  	[sflag:s0] =	ssyncadd.remote.s32 $0x1  }
0xbd: {  	_ =	sfence.sel $0xFFFF  }
0xbe: {  	[dreg:$0x0] =	wrdreg $0xFFFFFFFF;
	(pc) =	sbr.abs _section_cstart, $3  }
0xbf: {  	[dreg:$0x1] =	wrdreg $0xFFFFFFFF  }
0xc0: {  	_ =	task.clear_ibuf [dreg:s6], $0x2FFFF;
	_ =	strace $0x9FFFFFFF  }
0xc1: {  	(tm) =	ssettm $0x7FFFFFFF  }
tec
execute0_lowered:
.L_overlay_start_1:
0x0: {  	(tag) =	ssettag $0x1  }
0x1: {  	s1 =	srdreg.scid  }
0x2: {  	s0 =	stileid.u32;
	s20 =	sand.u32 $0x1, s1  }
0x3: {  	s14 =	rddreg [dreg:$0x0];
	s3 =	sshll.u32 s0, $0xC;
	s4 =	sshll.u32 s20, $0xB  }
0x4: {  	s2 =	simm.s32 $0x0;
	s1 =	rddreg [dreg:$0x1];
	s21 =	sor.u32 s4, s3  }
0x5: {  	[smem:$0x7FF] =	sst s2;
	s19 =	sadd.s32 $0x1800, s14;
	s3 =	sshrl.u32 s21, $0x3  }
0x6: {  	_ =	strace $0x8000004D;
	s4 =	sadd.s32 s19, s3;
	s3 =	simm.s32 $0x2  }
0x7: {  	[tilespmem:s2], [sflag:$0x2] =	stream.linear.gather [hbm4b:s4+s2], $0x200, $0x38;
	[tilespmem:$0x10200] =	vst v63  }
0x8: {  	_ =	swait.ge [sflag:s3], $0x200  }
0x9: {  	s6 =	simm.s32 $0x80;
	[sflag:s3] =	ssyncset.done $0x0  }
0xa: {  	s7 =	simm.s32 $0x200;
	s5 =	sadd.s32 $0x18CA00, s14;
	[sflag:s3] =	ssyncadd.s32 $0xFFFFFE00  }
0xb: {  	[tilespmem:s7], [sflag:$0x1] =	stream.indirect.gather [hbm4b:s5+s6], $0x80, s2, s6, $0xb8;
	[tilespmem:$0x10200] =	vst v63  }
0xc: {  	s8 =	simm.s32 $0x4200  }
0xd: {  	[tilespmem:s8], [sflag:$0x1] =	stream.indirect.gather [hbm4b:s5+s6], $0x80, s6, s6, $0xb8;
	[tilespmem:$0x10200] =	vst v63  }
0xe: {  	s9 =	simm.s32 $0x100;
	s10 =	simm.s32 $0x8200  }
0xf: {  	[tilespmem:s10], [sflag:$0x1] =	stream.indirect.gather [hbm4b:s5+s6], $0x80, s9, s6, $0xb8;
	[tilespmem:$0x10200] =	vst v63  }
0x10: {  	s11 =	simm.s32 $0x180;
	s12 =	simm.s32 $0xC200;
	s13 =	simm.s32 $0x1  }
0x11: {  	[tilespmem:s12], [sflag:$0x1] =	stream.indirect.gather [hbm4b:s5+s6], $0x80, s11, s6, $0xb8;
	[tilespmem:$0x10200] =	vst v63  }
0x12: {  	_ =	swait.ge [sflag:s13], $0x4000  }
0x13: {  	[sflag:s13] =	ssyncset.done $0x0  }
0x14: {  	[sflag:s13] =	ssyncadd.s32 $0xFFFFC000  }
0x15: {  	_ =	swait.ge [sflag:s13], $0x4000  }
0x16: {  	[sflag:s13] =	ssyncset.done $0x0  }
0x17: {  	[sflag:s13] =	ssyncadd.s32 $0xFFFFC000  }
0x18: {  	_ =	swait.ge [sflag:s13], $0x4000  }
0x19: {  	[sflag:s13] =	ssyncset.done $0x0  }
0x1a: {  	[sflag:s13] =	ssyncadd.s32 $0xFFFFC000  }
0x1b: {  	_ =	swait.ge [sflag:s13], $0x4000  }
0x1c: {  	s22 =	sadd.s32 $0x314A00, s14;
	s28 =	sshll.u32 s21, $0x4;
	[sflag:s13] =	ssyncset.done $0x0  }
0x1d: {  	s14 =	sadd.s32 s22, s28;
	[sflag:s13] =	ssyncadd.s32 $0xFFFFC000  }
0x1e: {  	[hbm4b:s14+s2] =	stream.linear.scatter [tilespmem:s7], [sflag:$0x2], $0x10000, $0x38;
	[tilespmem:$0x10200] =	vst v63  }
0x1f: {  	s16 =	sor.u32 $0x200, s21;
	_ =	swait.ge [sflag:s3], $0x10000  }
0x20: {  	s15 =	sshrl.u32 s16, $0x3;
	[sflag:s3] =	ssyncset.done $0x0  }
0x21: {  	s15 =	sadd.s32 s19, s15;
	[sflag:s3] =	ssyncadd.s32 $0xFFFF0000  }
0x22: {  	[tilespmem:s2], [sflag:$0x2] =	stream.linear.gather [hbm4b:s15+s2], $0x200, $0x38;
	[tilespmem:$0x10200] =	vst v63  }
0x23: {  	_ =	swait.ge [sflag:s3], $0x200  }
0x24: {  	[sflag:s3] =	ssyncset.done $0x0  }
0x25: {  	[sflag:s3] =	ssyncadd.s32 $0xFFFFFE00  }
0x26: {  	[tilespmem:s7], [sflag:$0x1] =	stream.indirect.gather [hbm4b:s5+s6], $0x80, s2, s6, $0xb8;
	[tilespmem:$0x10200] =	vst v63  }
0x27: {  	_ = 	snop  }
0x28: {  	[tilespmem:s8], [sflag:$0x1] =	stream.indirect.gather [hbm4b:s5+s6], $0x80, s6, s6, $0xb8;
	[tilespmem:$0x10200] =	vst v63  }
0x29: {  	_ = 	snop  }
0x2a: {  	[tilespmem:s10], [sflag:$0x1] =	stream.indirect.gather [hbm4b:s5+s6], $0x80, s9, s6, $0xb8;
	[tilespmem:$0x10200] =	vst v63  }
0x2b: {  	_ = 	snop  }
0x2c: {  	[tilespmem:s12], [sflag:$0x1] =	stream.indirect.gather [hbm4b:s5+s6], $0x80, s11, s6, $0xb8;
	[tilespmem:$0x10200] =	vst v63  }
0x2d: {  	_ =	swait.ge [sflag:s13], $0x4000  }
0x2e: {  	[sflag:s13] =	ssyncset.done $0x0  }
0x2f: {  	[sflag:s13] =	ssyncadd.s32 $0xFFFFC000  }
0x30: {  	_ =	swait.ge [sflag:s13], $0x4000  }
0x31: {  	[sflag:s13] =	ssyncset.done $0x0  }
0x32: {  	[sflag:s13] =	ssyncadd.s32 $0xFFFFC000  }
0x33: {  	_ =	swait.ge [sflag:s13], $0x4000  }
0x34: {  	[sflag:s13] =	ssyncset.done $0x0  }
0x35: {  	[sflag:s13] =	ssyncadd.s32 $0xFFFFC000  }
0x36: {  	_ =	swait.ge [sflag:s13], $0x4000  }
0x37: {  	s16 =	sshll.u32 s16, $0x4;
	[sflag:s13] =	ssyncset.done $0x0  }
0x38: {  	s16 =	sadd.s32 s22, s16;
	[sflag:s13] =	ssyncadd.s32 $0xFFFFC000  }
0x39: {  	[hbm4b:s16+s2] =	stream.linear.scatter [tilespmem:s7], [sflag:$0x2], $0x10000, $0x38;
	[tilespmem:$0x10200] =	vst v63  }
0x3a: {  	s18 =	sor.u32 $0x400, s21;
	_ =	swait.ge [sflag:s3], $0x10000  }
0x3b: {  	s17 =	sshrl.u32 s18, $0x3;
	[sflag:s3] =	ssyncset.done $0x0  }
0x3c: {  	s17 =	sadd.s32 s19, s17;
	[sflag:s3] =	ssyncadd.s32 $0xFFFF0000  }
0x3d: {  	[tilespmem:s2], [sflag:$0x2] =	stream.linear.gather [hbm4b:s17+s2], $0x200, $0x38;
	[tilespmem:$0x10200] =	vst v63  }
0x3e: {  	_ =	swait.ge [sflag:s3], $0x200  }
0x3f: {  	[sflag:s3] =	ssyncset.done $0x0  }
0x40: {  	[sflag:s3] =	ssyncadd.s32 $0xFFFFFE00  }
0x41: {  	[tilespmem:s7], [sflag:$0x1] =	stream.indirect.gather [hbm4b:s5+s6], $0x80, s2, s6, $0xb8;
	[tilespmem:$0x10200] =	vst v63  }
0x42: {  	_ = 	snop  }
0x43: {  	[tilespmem:s8], [sflag:$0x1] =	stream.indirect.gather [hbm4b:s5+s6], $0x80, s6, s6, $0xb8;
	[tilespmem:$0x10200] =	vst v63  }
0x44: {  	_ = 	snop  }
0x45: {  	[tilespmem:s10], [sflag:$0x1] =	stream.indirect.gather [hbm4b:s5+s6], $0x80, s9, s6, $0xb8;
	[tilespmem:$0x10200] =	vst v63  }
0x46: {  	_ = 	snop  }
0x47: {  	[tilespmem:s12], [sflag:$0x1] =	stream.indirect.gather [hbm4b:s5+s6], $0x80, s11, s6, $0xb8;
	[tilespmem:$0x10200] =	vst v63  }
0x48: {  	_ =	swait.ge [sflag:s13], $0x4000  }
0x49: {  	[sflag:s13] =	ssyncset.done $0x0  }
0x4a: {  	[sflag:s13] =	ssyncadd.s32 $0xFFFFC000  }
0x4b: {  	_ =	swait.ge [sflag:s13], $0x4000  }
0x4c: {  	[sflag:s13] =	ssyncset.done $0x0  }
0x4d: {  	[sflag:s13] =	ssyncadd.s32 $0xFFFFC000  }
0x4e: {  	_ =	swait.ge [sflag:s13], $0x4000  }
0x4f: {  	[sflag:s13] =	ssyncset.done $0x0  }
0x50: {  	[sflag:s13] =	ssyncadd.s32 $0xFFFFC000  }
0x51: {  	_ =	swait.ge [sflag:s13], $0x4000  }
0x52: {  	s18 =	sshll.u32 s18, $0x4;
	[sflag:s13] =	ssyncset.done $0x0  }
0x53: {  	s18 =	sadd.s32 s22, s18;
	[sflag:s13] =	ssyncadd.s32 $0xFFFFC000  }
0x54: {  	[hbm4b:s18+s2] =	stream.linear.scatter [tilespmem:s7], [sflag:$0x2], $0x10000, $0x38;
	[tilespmem:$0x10200] =	vst v63  }
0x55: {  	s21 =	sor.u32 $0x600, s21;
	_ =	swait.ge [sflag:s3], $0x10000  }
0x56: {  	s23 =	sshrl.u32 s21, $0x3;
	[sflag:s3] =	ssyncset.done $0x0  }
0x57: {  	s19 =	sadd.s32 s19, s23;
	[sflag:s3] =	ssyncadd.s32 $0xFFFF0000  }
0x58: {  	[tilespmem:s2], [sflag:$0x2] =	stream.linear.gather [hbm4b:s19+s2], $0x200, $0x38;
	[tilespmem:$0x10200] =	vst v63  }
0x59: {  	_ =	swait.ge [sflag:s3], $0x200  }
0x5a: {  	[sflag:s3] =	ssyncset.done $0x0  }
0x5b: {  	[sflag:s3] =	ssyncadd.s32 $0xFFFFFE00  }
0x5c: {  	[tilespmem:s7], [sflag:$0x1] =	stream.indirect.gather [hbm4b:s5+s6], $0x80, s2, s6, $0xb8;
	[tilespmem:$0x10200] =	vst v63  }
0x5d: {  	_ = 	snop  }
0x5e: {  	[tilespmem:s8], [sflag:$0x1] =	stream.indirect.gather [hbm4b:s5+s6], $0x80, s6, s6, $0xb8;
	[tilespmem:$0x10200] =	vst v63  }
0x5f: {  	_ = 	snop  }
0x60: {  	[tilespmem:s10], [sflag:$0x1] =	stream.indirect.gather [hbm4b:s5+s6], $0x80, s9, s6, $0xb8;
	[tilespmem:$0x10200] =	vst v63  }
0x61: {  	_ = 	snop  }
0x62: {  	[tilespmem:s12], [sflag:$0x1] =	stream.indirect.gather [hbm4b:s5+s6], $0x80, s11, s6, $0xb8;
	[tilespmem:$0x10200] =	vst v63  }
0x63: {  	_ =	swait.ge [sflag:s13], $0x4000  }
0x64: {  	[sflag:s13] =	ssyncset.done $0x0  }
0x65: {  	[sflag:s13] =	ssyncadd.s32 $0xFFFFC000  }
0x66: {  	_ =	swait.ge [sflag:s13], $0x4000  }
0x67: {  	[sflag:s13] =	ssyncset.done $0x0  }
0x68: {  	s20 =	ssub.s32 $0x2, s20;
	[sflag:s13] =	ssyncadd.s32 $0xFFFFC000  }
0x69: {  	s29 =	sshrl.u32 s20, $0x1;
	_ =	swait.ge [sflag:s13], $0x4000  }
0x6a: {  	s23 =	ssub.s32 s20, s29;
	[sflag:s13] =	ssyncset.done $0x0  }
0x6b: {  	s31 =	smax.u32 s23, $0x1;
	[sflag:s13] =	ssyncadd.s32 $0xFFFFC000  }
0x6c: {  	p0 =	sne.s32 s31, $0x1;
	_ =	swait.ge [sflag:s13], $0x4000  }
.Ltmp0:
0x6d: {  	s30 =	sshll.u32 s21, $0x4;
	[sflag:s13] =	ssyncset.done $0x0;
	(pc) =	sbr.rel @!p0 .LBB2_2-.Ltmp0, $4  }
0x6e: {  	s20 =	sadd.s32 s22, s30;
	[sflag:s13] =	ssyncadd.s32 $0xFFFFC000  }
0x6f: {  	[hbm4b:s20+s2] =	stream.linear.scatter [tilespmem:s7], [sflag:$0x2], $0x10000, $0x38;
	[tilespmem:$0x10200] =	vst v63  }
0x70: {  	_ =	swait.ge [sflag:s3], $0x10000  }
0x71: {  	s21 =	sadd.s32 $0xFFFFFFFF, s31;
	[sflag:s3] =	ssyncset.done $0x0  }
.LBB2_1:
0x72: {  	p0 =	sne.s32 s21, $0x1;
	s21 =	sadd.s32 $0xFFFFFFFF, s21;
	[sflag:s3] =	ssyncadd.s32 $0xFFFF0000  }
0x73: {  	[tilespmem:s2], [sflag:$0x2] =	stream.linear.gather [hbm4b:s4+s2], $0x200, $0x38;
	[tilespmem:$0x10200] =	vst v63  }
0x74: {  	_ =	swait.ge [sflag:s3], $0x200  }
0x75: {  	[sflag:s3] =	ssyncset.done $0x0  }
0x76: {  	[sflag:s3] =	ssyncadd.s32 $0xFFFFFE00  }
0x77: {  	[tilespmem:s7], [sflag:$0x1] =	stream.indirect.gather [hbm4b:s5+s6], $0x80, s2, s6, $0xb8;
	[tilespmem:$0x10200] =	vst v63  }
0x78: {  	_ = 	snop  }
0x79: {  	[tilespmem:s8], [sflag:$0x1] =	stream.indirect.gather [hbm4b:s5+s6], $0x80, s6, s6, $0xb8;
	[tilespmem:$0x10200] =	vst v63  }
0x7a: {  	_ = 	snop  }
0x7b: {  	[tilespmem:s10], [sflag:$0x1] =	stream.indirect.gather [hbm4b:s5+s6], $0x80, s9, s6, $0xb8;
	[tilespmem:$0x10200] =	vst v63  }
0x7c: {  	_ = 	snop  }
0x7d: {  	[tilespmem:s12], [sflag:$0x1] =	stream.indirect.gather [hbm4b:s5+s6], $0x80, s11, s6, $0xb8;
	[tilespmem:$0x10200] =	vst v63  }
0x7e: {  	_ =	swait.ge [sflag:s13], $0x4000  }
0x7f: {  	[sflag:s13] =	ssyncset.done $0x0  }
0x80: {  	[sflag:s13] =	ssyncadd.s32 $0xFFFFC000  }
0x81: {  	_ =	swait.ge [sflag:s13], $0x4000  }
0x82: {  	[sflag:s13] =	ssyncset.done $0x0  }
0x83: {  	[sflag:s13] =	ssyncadd.s32 $0xFFFFC000  }
0x84: {  	_ =	swait.ge [sflag:s13], $0x4000  }
0x85: {  	[sflag:s13] =	ssyncset.done $0x0  }
0x86: {  	[sflag:s13] =	ssyncadd.s32 $0xFFFFC000  }
0x87: {  	_ =	swait.ge [sflag:s13], $0x4000  }
0x88: {  	[sflag:s13] =	ssyncset.done $0x0  }
0x89: {  	[sflag:s13] =	ssyncadd.s32 $0xFFFFC000  }
0x8a: {  	[hbm4b:s14+s2] =	stream.linear.scatter [tilespmem:s7], [sflag:$0x2], $0x10000, $0x38;
	[tilespmem:$0x10200] =	vst v63  }
0x8b: {  	_ =	swait.ge [sflag:s3], $0x10000  }
0x8c: {  	[sflag:s3] =	ssyncset.done $0x0  }
0x8d: {  	[sflag:s3] =	ssyncadd.s32 $0xFFFF0000  }
0x8e: {  	[tilespmem:s2], [sflag:$0x2] =	stream.linear.gather [hbm4b:s15+s2], $0x200, $0x38;
	[tilespmem:$0x10200] =	vst v63  }
0x8f: {  	_ =	swait.ge [sflag:s3], $0x200  }
0x90: {  	[sflag:s3] =	ssyncset.done $0x0  }
0x91: {  	[sflag:s3] =	ssyncadd.s32 $0xFFFFFE00  }
0x92: {  	[tilespmem:s7], [sflag:$0x1] =	stream.indirect.gather [hbm4b:s5+s6], $0x80, s2, s6, $0xb8;
	[tilespmem:$0x10200] =	vst v63  }
0x93: {  	_ = 	snop  }
0x94: {  	[tilespmem:s8], [sflag:$0x1] =	stream.indirect.gather [hbm4b:s5+s6], $0x80, s6, s6, $0xb8;
	[tilespmem:$0x10200] =	vst v63  }
0x95: {  	_ = 	snop  }
0x96: {  	[tilespmem:s10], [sflag:$0x1] =	stream.indirect.gather [hbm4b:s5+s6], $0x80, s9, s6, $0xb8;
	[tilespmem:$0x10200] =	vst v63  }
0x97: {  	_ = 	snop  }
0x98: {  	[tilespmem:s12], [sflag:$0x1] =	stream.indirect.gather [hbm4b:s5+s6], $0x80, s11, s6, $0xb8;
	[tilespmem:$0x10200] =	vst v63  }
0x99: {  	_ =	swait.ge [sflag:s13], $0x4000  }
0x9a: {  	[sflag:s13] =	ssyncset.done $0x0  }
0x9b: {  	[sflag:s13] =	ssyncadd.s32 $0xFFFFC000  }
0x9c: {  	_ =	swait.ge [sflag:s13], $0x4000  }
0x9d: {  	[sflag:s13] =	ssyncset.done $0x0  }
0x9e: {  	[sflag:s13] =	ssyncadd.s32 $0xFFFFC000  }
0x9f: {  	_ =	swait.ge [sflag:s13], $0x4000  }
0xa0: {  	[sflag:s13] =	ssyncset.done $0x0  }
0xa1: {  	[sflag:s13] =	ssyncadd.s32 $0xFFFFC000  }
0xa2: {  	_ =	swait.ge [sflag:s13], $0x4000  }
0xa3: {  	[sflag:s13] =	ssyncset.done $0x0  }
0xa4: {  	[sflag:s13] =	ssyncadd.s32 $0xFFFFC000  }
0xa5: {  	[hbm4b:s16+s2] =	stream.linear.scatter [tilespmem:s7], [sflag:$0x2], $0x10000, $0x38;
	[tilespmem:$0x10200] =	vst v63  }
0xa6: {  	_ =	swait.ge [sflag:s3], $0x10000  }
0xa7: {  	[sflag:s3] =	ssyncset.done $0x0  }
0xa8: {  	[sflag:s3] =	ssyncadd.s32 $0xFFFF0000  }
0xa9: {  	[tilespmem:s2], [sflag:$0x2] =	stream.linear.gather [hbm4b:s17+s2], $0x200, $0x38;
	[tilespmem:$0x10200] =	vst v63  }
0xaa: {  	_ =	swait.ge [sflag:s3], $0x200  }
0xab: {  	[sflag:s3] =	ssyncset.done $0x0  }
0xac: {  	[sflag:s3] =	ssyncadd.s32 $0xFFFFFE00  }
0xad: {  	[tilespmem:s7], [sflag:$0x1] =	stream.indirect.gather [hbm4b:s5+s6], $0x80, s2, s6, $0xb8;
	[tilespmem:$0x10200] =	vst v63  }
0xae: {  	_ = 	snop  }
0xaf: {  	[tilespmem:s8], [sflag:$0x1] =	stream.indirect.gather [hbm4b:s5+s6], $0x80, s6, s6, $0xb8;
	[tilespmem:$0x10200] =	vst v63  }
0xb0: {  	_ = 	snop  }
0xb1: {  	[tilespmem:s10], [sflag:$0x1] =	stream.indirect.gather [hbm4b:s5+s6], $0x80, s9, s6, $0xb8;
	[tilespmem:$0x10200] =	vst v63  }
0xb2: {  	_ = 	snop  }
0xb3: {  	[tilespmem:s12], [sflag:$0x1] =	stream.indirect.gather [hbm4b:s5+s6], $0x80, s11, s6, $0xb8;
	[tilespmem:$0x10200] =	vst v63  }
0xb4: {  	_ =	swait.ge [sflag:s13], $0x4000  }
0xb5: {  	[sflag:s13] =	ssyncset.done $0x0  }
0xb6: {  	[sflag:s13] =	ssyncadd.s32 $0xFFFFC000  }
0xb7: {  	_ =	swait.ge [sflag:s13], $0x4000  }
0xb8: {  	[sflag:s13] =	ssyncset.done $0x0  }
0xb9: {  	[sflag:s13] =	ssyncadd.s32 $0xFFFFC000  }
0xba: {  	_ =	swait.ge [sflag:s13], $0x4000  }
0xbb: {  	[sflag:s13] =	ssyncset.done $0x0  }
0xbc: {  	[sflag:s13] =	ssyncadd.s32 $0xFFFFC000  }
0xbd: {  	_ =	swait.ge [sflag:s13], $0x4000  }
0xbe: {  	[sflag:s13] =	ssyncset.done $0x0  }
0xbf: {  	[sflag:s13] =	ssyncadd.s32 $0xFFFFC000  }
0xc0: {  	[hbm4b:s18+s2] =	stream.linear.scatter [tilespmem:s7], [sflag:$0x2], $0x10000, $0x38;
	[tilespmem:$0x10200] =	vst v63  }
0xc1: {  	_ =	swait.ge [sflag:s3], $0x10000  }
0xc2: {  	[sflag:s3] =	ssyncset.done $0x0  }
0xc3: {  	[sflag:s3] =	ssyncadd.s32 $0xFFFF0000  }
0xc4: {  	[tilespmem:s2], [sflag:$0x2] =	stream.linear.gather [hbm4b:s19+s2], $0x200, $0x38;
	[tilespmem:$0x10200] =	vst v63  }
0xc5: {  	_ =	swait.ge [sflag:s3], $0x200  }
0xc6: {  	[sflag:s3] =	ssyncset.done $0x0  }
0xc7: {  	[sflag:s3] =	ssyncadd.s32 $0xFFFFFE00  }
0xc8: {  	[tilespmem:s7], [sflag:$0x1] =	stream.indirect.gather [hbm4b:s5+s6], $0x80, s2, s6, $0xb8;
	[tilespmem:$0x10200] =	vst v63  }
0xc9: {  	_ = 	snop  }
0xca: {  	[tilespmem:s8], [sflag:$0x1] =	stream.indirect.gather [hbm4b:s5+s6], $0x80, s6, s6, $0xb8;
	[tilespmem:$0x10200] =	vst v63  }
0xcb: {  	_ = 	snop  }
0xcc: {  	[tilespmem:s10], [sflag:$0x1] =	stream.indirect.gather [hbm4b:s5+s6], $0x80, s9, s6, $0xb8;
	[tilespmem:$0x10200] =	vst v63  }
0xcd: {  	_ = 	snop  }
0xce: {  	[tilespmem:s12], [sflag:$0x1] =	stream.indirect.gather [hbm4b:s5+s6], $0x80, s11, s6, $0xb8;
	[tilespmem:$0x10200] =	vst v63  }
0xcf: {  	_ =	swait.ge [sflag:s13], $0x4000  }
0xd0: {  	[sflag:s13] =	ssyncset.done $0x0  }
0xd1: {  	[sflag:s13] =	ssyncadd.s32 $0xFFFFC000  }
0xd2: {  	_ =	swait.ge [sflag:s13], $0x4000  }
0xd3: {  	[sflag:s13] =	ssyncset.done $0x0  }
0xd4: {  	[sflag:s13] =	ssyncadd.s32 $0xFFFFC000  }
0xd5: {  	_ =	swait.ge [sflag:s13], $0x4000  }
0xd6: {  	[sflag:s13] =	ssyncset.done $0x0  }
0xd7: {  	[sflag:s13] =	ssyncadd.s32 $0xFFFFC000  }
0xd8: {  	_ =	swait.ge [sflag:s13], $0x4000  }
.Ltmp1:
0xd9: {  	[sflag:s13] =	ssyncset.done $0x0;
	(pc) =	sbr.rel @p0 .LBB2_1-.Ltmp1, $4  }
0xda: {  	[sflag:s13] =	ssyncadd.s32 $0xFFFFC000  }
0xdb: {  	[hbm4b:s20+s2] =	stream.linear.scatter [tilespmem:s7], [sflag:$0x2], $0x10000, $0x38;
	[tilespmem:$0x10200] =	vst v63  }
0xdc: {  	_ =	swait.ge [sflag:s3], $0x10000  }
0xdd: {  	[sflag:s3] =	ssyncset.done $0x0  }
.LBB2_2:
0xde: {  	[sflag:s3] =	ssyncadd.s32 $0xFFFF0000  }
0xdf: {  	_ =	sfence.sel $0x180000  }
0xe0: {  	[bflag:$0x0] =	sbarrier.arrive $0xFFFF  }
0xe1: {  	p0 =	sne.s32 s0, $0x0;
	_ =	strace $0x9000004D  }
0xe2: {  	s0 =	sadd.s32 @!p0 $0x100000, s1;
	[bflag:$0x2] =	sbarrier.arrive $0xFFFF  }
0xe3: {  	[sflag:s0] =	ssyncadd.tile.s32 @!p0 $0x1;
	_ =	shalt  }
.Lfunc_end2:
_tile_overlayer_lowered:
.L_overlay_start_2:
0xe4: {  	(tag) =	ssettag $0x2  }
0xe5: {  	s0 =	rddreg [dreg:$0x0];
	s2 =	stileid.u32  }
0xe6: {  	s1 =	rddreg [dreg:$0x1];
	p0 =	sne.s32 s2, $0x0  }
0xe7: {  	s3 =	rddreg [dreg:$0x2];
	[bflag:$0x3] =	sbarrier.arrive $0xFFFF;
	s2 =	simm.s32 @!p0 $0x1C02  }
0xe8: {  	[timem:s3], [sflag:s2] =	dma.local @!p0 [hbm:s0], s1  }
0xe9: {  	s0 =	simm.s32 @!p0 $0x2  }
0xea: {  	_ =	swait.ge @!p0 [sflag:s0], s1  }
0xeb: {  	s1 =	ssub.s32 @!p0 $0x0, s1;
	[sflag:s0] =	ssyncset.done @!p0 $0x0  }
0xec: {  	[sflag:s0] =	ssyncadd.s32 @!p0 s1  }
0xed: {  	[bflag:$0x3] =	sbarrier.arrive $0xFFFF  }
0xee: {  	_ =	shalt  }

</sc_bundles>
